<compile_context>
chip_gen: v7x
topology: tpu7x:2x2x1
jax: 0.10.2.dev20260603
libtpu: 0.0.44.dev20260713+nightly
codegen_flags: <defaults>
</compile_context>

<pallas_src>
import functools

import jax
import jax.numpy as jnp
from jax import lax
from jax.experimental import pallas as pl
from jax.experimental.pallas import tpu as pltpu
from jax.experimental.pallas import tpu_sc as plsc

VOCAB = 100000
EMB = 64
FIX = 50
B = 4096
HIDDEN = 128
OUT = 2

NC = 2
NS = 16
NW = NC * NS

N_SPLIT = 2
BH = B // N_SPLIT
N_IDX = BH * FIX
PER_W = N_IDX // NW
SBI = 1600
N_SB = PER_W // SBI
CH = 80
N_CH = SBI // CH


def _make_sc_gather(split: int):
    mesh = plsc.VectorSubcoreMesh(core_axis_name="c", subcore_axis_name="s")

    @functools.partial(
        pl.kernel,
        mesh=mesh,
        out_type=jax.ShapeDtypeStruct((N_IDX, EMB), jnp.float32),
        scratch_types=[
            pltpu.VMEM((PER_W,), jnp.int32),
            pltpu.VMEM((SBI, EMB), jnp.float32),
            pltpu.SemaphoreType.DMA,
        ],
        compiler_params=pltpu.CompilerParams(
            use_tc_tiling_on_sc=False, needs_layout_passes=False
        ),
    )
    def gather_k(table_hbm, idx_hbm, out_hbm, idx_v, stage_v, gsem):
        wid = lax.axis_index("s") * NC + lax.axis_index("c")
        pltpu.sync_copy(
            idx_hbm.at[pl.ds(split * N_IDX + wid * PER_W, PER_W)], idx_v
        )

        def body(s, carry):
            descs = [
                pltpu.async_copy(
                    table_hbm.at[idx_v.at[pl.ds(s * SBI + j * CH, CH)]],
                    stage_v.at[pl.ds(j * CH, CH)],
                    gsem,
                )
                for j in range(N_CH)
            ]
            for d in descs:
                d.wait()
            pltpu.sync_copy(
                stage_v,
                out_hbm.at[pl.ds(wid * PER_W + s * SBI, SBI)],
            )
            return carry

        lax.fori_loop(0, N_SB, body, 0)

    return gather_k


_sc_gathers = [_make_sc_gather(h) for h in range(N_SPLIT)]


BM = 1024
XROWS = BM * FIX * EMB // 128
K = FIX * EMB


def _mlp_body(x_ref, w1_ref, b1_ref, w2_ref, b2_ref, o_ref):
    x = x_ref[...].reshape(BM, FIX * EMB)
    h = jnp.dot(x, w1_ref[...], preferred_element_type=jnp.float32) + b1_ref[...]
    h = jnp.where(h >= 0, h, 0.01 * h)
    o_ref[...] = jnp.dot(h, w2_ref[...], preferred_element_type=jnp.float32) + b2_ref[...]


def _tc_mlp(rows, W1, b1, W2, b2):
    return pl.pallas_call(
        _mlp_body,
        grid=(BH // BM,),
        in_specs=[
            pl.BlockSpec((XROWS, 128), lambda i: (i, 0)),
            pl.BlockSpec((K, HIDDEN), lambda i: (0, 0)),
            pl.BlockSpec((1, HIDDEN), lambda i: (0, 0)),
            pl.BlockSpec((HIDDEN, OUT), lambda i: (0, 0)),
            pl.BlockSpec((1, OUT), lambda i: (0, 0)),
        ],
        out_specs=pl.BlockSpec((BM, OUT), lambda i: (i, 0)),
        out_shape=jax.ShapeDtypeStruct((BH, OUT), jnp.float32),
    )(rows, W1, b1.reshape(1, HIDDEN), W2, b2.reshape(1, OUT))


def kernel(texts, table, W1, b1, W2, b2):
    idx = texts.astype(jnp.int32).reshape(B * FIX)
    outs = []
    for h in range(N_SPLIT):
        rows = _sc_gathers[h](table, idx)
        rows128 = rows.reshape(N_IDX * EMB // 128, 128)
        outs.append(_tc_mlp(rows128, W1, b1, W2, b2))
    return jnp.concatenate(outs, axis=0)

# --- scband reference (transcript-rebuilt; emitter-appended) ---
"""Pipeline reference for scband-net-84370337563330 (READ-ONLY COPY).

The authoritative reference and input builder live on the scoring server;
editing this copy changes nothing except your own understanding.
"""

import jax, jax.numpy as jnp
import numpy as np

VOCAB = 100000
EMB = 64
FIX = 50
B = 4096
HIDDEN = 128
OUT = 2


def setup_inputs(seed: int = 0) -> dict:
    key = jax.random.key(seed)
    k1, k2, k3, k4, k5 = jax.random.split(key, 5)
    texts = jax.random.randint(k1, (B, FIX), 0, VOCAB, dtype=jnp.int64 if jax.config.jax_enable_x64 else jnp.int32)
    table = jax.random.normal(k2, (VOCAB, EMB), dtype=jnp.float32) * 0.02
    W1 = jax.random.normal(k3, (EMB * FIX, HIDDEN), dtype=jnp.float32) * 0.02
    b1 = jnp.zeros((HIDDEN,), dtype=jnp.float32)
    W2 = jax.random.normal(k4, (HIDDEN, OUT), dtype=jnp.float32) * 0.02
    b2 = jnp.zeros((OUT,), dtype=jnp.float32)
    return {"texts": texts, "table": table, "W1": W1, "b1": b1, "W2": W2, "b2": b2}


def reference(texts, table, W1, b1, W2, b2):
    # nn.Embedding lookup -> gather rows from table
    embeds = jnp.take(table, texts, axis=0)            # [B, FIX, EMB]
    flat = embeds.reshape(embeds.shape[0], -1)          # [B, FIX*EMB]
    out = flat @ W1 + b1                                # Linear(emb_dim*fix_length, 128)
    out = jnp.where(out >= 0, out, 0.01 * out)          # LeakyReLU(negative_slope=0.01)
    out = out @ W2 + b2                                 # Linear(128, 2)
    return out

if __name__ == "__main__":
    import jax
    _d = setup_inputs()
    print(jax.jit(kernel)(*tuple(_d.values())))

</pallas_src>

<mosaic_0001>
#map = affine_map<(d0, d1) -> (0, 0)>
#map1 = affine_map<(d0, d1) -> (0)>
module attributes {stable_mosaic.version = 14 : i64} {
  func.func @gather_k(%arg0: i32, %arg1: i32, %arg2: memref<100000x64xf32, #tpu.memory_space<hbm>>, %arg3: memref<204800xi32, #tpu.memory_space<hbm>>, %arg4: memref<102400x64xf32, #tpu.memory_space<hbm>>, %arg5: memref<3200xi32, #tpu.memory_space<vmem>>, %arg6: memref<1600x64xf32, #tpu.memory_space<vmem>>, %arg7: memref<!tpu.dma_semaphore, #tpu.memory_space<semaphore_mem>>) attributes {dimension_semantics = [#tpu.dimension_semantics<core_parallel>, #tpu.dimension_semantics<subcore_parallel>], iteration_bounds = array<i64: 2, 16>, scalar_prefetch = 0 : i64, scratch_operands = 3 : i64, tpu.core_type = #tpu.core_type<sc_vector_subcore>, window_params = [{transform_indices = #map}, {transform_indices = #map1}, {transform_indices = #map}]} {
    %mul3A = arith.constant 2 : i32
    %mul3A_0 = arith.muli %arg1, %mul3A : i32
    %add3A = arith.addi %mul3A_0, %arg0 : i32
    %mul3A_1 = arith.constant 3200 : i32
    %mul3A_2 = arith.muli %add3A, %mul3A_1 : i32
    %add3A_3 = arith.constant 102400 : i32
    %add3A_4 = arith.addi %add3A_3, %mul3A_2 : i32
    "tpu.region"() ({
      %run_scoped3A = tpu.sem_alloc : memref<!tpu.dma_semaphore, #tpu.memory_space<semaphore_mem>>
      %dma_start3A = tpu.memref_slice %arg3[%add3A_4] : memref<204800xi32, #tpu.memory_space<hbm>> -> memref<3200xi32, #tpu.memory_space<hbm>>
      %dma_start3A_10 = tpu.memref_slice %arg3[%add3A_4] : memref<204800xi32, #tpu.memory_space<hbm>> -> memref<3200xi32, #tpu.memory_space<hbm>>
      tpu.enqueue_dma source(%dma_start3A_10 : memref<3200xi32, #tpu.memory_space<hbm>>) target(%arg5 : memref<3200xi32, #tpu.memory_space<vmem>>) target_semaphore(%run_scoped3A : memref<!tpu.dma_semaphore, #tpu.memory_space<semaphore_mem>>)
      %dma_wait3A = tpu.memref_slice %arg3[%add3A_4] : memref<204800xi32, #tpu.memory_space<hbm>> -> memref<3200xi32, #tpu.memory_space<hbm>>
      %dma_wait3A_11 = tpu.memref_slice %arg3[%add3A_4] : memref<204800xi32, #tpu.memory_space<hbm>> -> memref<3200xi32, #tpu.memory_space<hbm>>
      tpu.wait_dma2 semaphore(%run_scoped3A : memref<!tpu.dma_semaphore, #tpu.memory_space<semaphore_mem>>) src(%dma_wait3A_11 : memref<3200xi32, #tpu.memory_space<hbm>>) dst(%arg5 : memref<3200xi32, #tpu.memory_space<vmem>>)
      tpu.yield
    }) : () -> ()
    %scan3A = arith.constant 0 : i32
    %scan3A_5 = arith.constant 0 : i32
    %scan3A_6 = arith.constant 2 : i32
    %scan3A_7 = arith.addi %scan3A_5, %scan3A_6 : i32
    %scan3A_8 = arith.constant 1 : i32
    scf.for %scan3A_10 = %scan3A_5 to %scan3A_7 step %scan3A_8  : i32 {
      %mul3A_11 = arith.constant 1600 : i32
      %mul3A_12 = arith.muli %scan3A_10, %mul3A_11 : i32
      %add3A_13 = arith.constant 0 : i32
      %add3A_14 = arith.addi %mul3A_12, %add3A_13 : i32
      %dma_start3A = arith.constant 0 : i32
      %dma_start3A_15 = arith.constant 0 : i32
      %dma_start3A_16 = tpu.memref_slice %arg6[%dma_start3A, %dma_start3A_15] : memref<1600x64xf32, #tpu.memory_space<vmem>> -> memref<80x64xf32, #tpu.memory_space<vmem>>
      %dma_start3A_17 = tpu.memref_slice %arg5[%add3A_14] : memref<3200xi32, #tpu.memory_space<vmem>> -> memref<80xi32, #tpu.memory_space<vmem>>
      %dma_start3A_18 = arith.constant 0 : i32
      %dma_start3A_19 = arith.constant 0 : i32
      %dma_start3A_20 = tpu.memref_slice %arg2[%dma_start3A_18, %dma_start3A_19] : memref<100000x64xf32, #tpu.memory_space<hbm>> -> memref<100000x64xf32, #tpu.memory_space<hbm>>
      tpu.enqueue_indirect_dma source(%dma_start3A_20 : memref<100000x64xf32, #tpu.memory_space<hbm>>) target(%dma_start3A_16 : memref<80x64xf32, #tpu.memory_space<vmem>>) offsets(%dma_start3A_17 : memref<80xi32, #tpu.memory_space<vmem>>) semaphore(%arg7 : memref<!tpu.dma_semaphore, #tpu.memory_space<semaphore_mem>>)
      %mul3A_21 = arith.constant 1600 : i32
      %mul3A_22 = arith.muli %scan3A_10, %mul3A_21 : i32
      %add3A_23 = arith.constant 80 : i32
      %add3A_24 = arith.addi %mul3A_22, %add3A_23 : i32
      %dma_start3A_25 = arith.constant 80 : i32
      %dma_start3A_26 = arith.constant 0 : i32
      %dma_start3A_27 = tpu.memref_slice %arg6[%dma_start3A_25, %dma_start3A_26] : memref<1600x64xf32, #tpu.memory_space<vmem>> -> memref<80x64xf32, #tpu.memory_space<vmem>>
      %dma_start3A_28 = tpu.memref_slice %arg5[%add3A_24] : memref<3200xi32, #tpu.memory_space<vmem>> -> memref<80xi32, #tpu.memory_space<vmem>>
      %dma_start3A_29 = arith.constant 0 : i32
      %dma_start3A_30 = arith.constant 0 : i32
      %dma_start3A_31 = tpu.memref_slice %arg2[%dma_start3A_29, %dma_start3A_30] : memref<100000x64xf32, #tpu.memory_space<hbm>> -> memref<100000x64xf32, #tpu.memory_space<hbm>>
      tpu.enqueue_indirect_dma source(%dma_start3A_31 : memref<100000x64xf32, #tpu.memory_space<hbm>>) target(%dma_start3A_27 : memref<80x64xf32, #tpu.memory_space<vmem>>) offsets(%dma_start3A_28 : memref<80xi32, #tpu.memory_space<vmem>>) semaphore(%arg7 : memref<!tpu.dma_semaphore, #tpu.memory_space<semaphore_mem>>)
      %mul3A_32 = arith.constant 1600 : i32
      %mul3A_33 = arith.muli %scan3A_10, %mul3A_32 : i32
      %add3A_34 = arith.constant 160 : i32
      %add3A_35 = arith.addi %mul3A_33, %add3A_34 : i32
      %dma_start3A_36 = arith.constant 160 : i32
      %dma_start3A_37 = arith.constant 0 : i32
      %dma_start3A_38 = tpu.memref_slice %arg6[%dma_start3A_36, %dma_start3A_37] : memref<1600x64xf32, #tpu.memory_space<vmem>> -> memref<80x64xf32, #tpu.memory_space<vmem>>
      %dma_start3A_39 = tpu.memref_slice %arg5[%add3A_35] : memref<3200xi32, #tpu.memory_space<vmem>> -> memref<80xi32, #tpu.memory_space<vmem>>
      %dma_start3A_40 = arith.constant 0 : i32
      %dma_start3A_41 = arith.constant 0 : i32
      %dma_start3A_42 = tpu.memref_slice %arg2[%dma_start3A_40, %dma_start3A_41] : memref<100000x64xf32, #tpu.memory_space<hbm>> -> memref<100000x64xf32, #tpu.memory_space<hbm>>
      tpu.enqueue_indirect_dma source(%dma_start3A_42 : memref<100000x64xf32, #tpu.memory_space<hbm>>) target(%dma_start3A_38 : memref<80x64xf32, #tpu.memory_space<vmem>>) offsets(%dma_start3A_39 : memref<80xi32, #tpu.memory_space<vmem>>) semaphore(%arg7 : memref<!tpu.dma_semaphore, #tpu.memory_space<semaphore_mem>>)
      %mul3A_43 = arith.constant 1600 : i32
      %mul3A_44 = arith.muli %scan3A_10, %mul3A_43 : i32
      %add3A_45 = arith.constant 240 : i32
      %add3A_46 = arith.addi %mul3A_44, %add3A_45 : i32
      %dma_start3A_47 = arith.constant 240 : i32
      %dma_start3A_48 = arith.constant 0 : i32
      %dma_start3A_49 = tpu.memref_slice %arg6[%dma_start3A_47, %dma_start3A_48] : memref<1600x64xf32, #tpu.memory_space<vmem>> -> memref<80x64xf32, #tpu.memory_space<vmem>>
      %dma_start3A_50 = tpu.memref_slice %arg5[%add3A_46] : memref<3200xi32, #tpu.memory_space<vmem>> -> memref<80xi32, #tpu.memory_space<vmem>>
      %dma_start3A_51 = arith.constant 0 : i32
      %dma_start3A_52 = arith.constant 0 : i32
      %dma_start3A_53 = tpu.memref_slice %arg2[%dma_start3A_51, %dma_start3A_52] : memref<100000x64xf32, #tpu.memory_space<hbm>> -> memref<100000x64xf32, #tpu.memory_space<hbm>>
      tpu.enqueue_indirect_dma source(%dma_start3A_53 : memref<100000x64xf32, #tpu.memory_space<hbm>>) target(%dma_start3A_49 : memref<80x64xf32, #tpu.memory_space<vmem>>) offsets(%dma_start3A_50 : memref<80xi32, #tpu.memory_space<vmem>>) semaphore(%arg7 : memref<!tpu.dma_semaphore, #tpu.memory_space<semaphore_mem>>)
      %mul3A_54 = arith.constant 1600 : i32
      %mul3A_55 = arith.muli %scan3A_10, %mul3A_54 : i32
      %add3A_56 = arith.constant 320 : i32
      %add3A_57 = arith.addi %mul3A_55, %add3A_56 : i32
      %dma_start3A_58 = arith.constant 320 : i32
      %dma_start3A_59 = arith.constant 0 : i32
      %dma_start3A_60 = tpu.memref_slice %arg6[%dma_start3A_58, %dma_start3A_59] : memref<1600x64xf32, #tpu.memory_space<vmem>> -> memref<80x64xf32, #tpu.memory_space<vmem>>
      %dma_start3A_61 = tpu.memref_slice %arg5[%add3A_57] : memref<3200xi32, #tpu.memory_space<vmem>> -> memref<80xi32, #tpu.memory_space<vmem>>
      %dma_start3A_62 = arith.constant 0 : i32
      %dma_start3A_63 = arith.constant 0 : i32
      %dma_start3A_64 = tpu.memref_slice %arg2[%dma_start3A_62, %dma_start3A_63] : memref<100000x64xf32, #tpu.memory_space<hbm>> -> memref<100000x64xf32, #tpu.memory_space<hbm>>
      tpu.enqueue_indirect_dma source(%dma_start3A_64 : memref<100000x64xf32, #tpu.memory_space<hbm>>) target(%dma_start3A_60 : memref<80x64xf32, #tpu.memory_space<vmem>>) offsets(%dma_start3A_61 : memref<80xi32, #tpu.memory_space<vmem>>) semaphore(%arg7 : memref<!tpu.dma_semaphore, #tpu.memory_space<semaphore_mem>>)
      %mul3A_65 = arith.constant 1600 : i32
      %mul3A_66 = arith.muli %scan3A_10, %mul3A_65 : i32
      %add3A_67 = arith.constant 400 : i32
      %add3A_68 = arith.addi %mul3A_66, %add3A_67 : i32
      %dma_start3A_69 = arith.constant 400 : i32
      %dma_start3A_70 = arith.constant 0 : i32
      %dma_start3A_71 = tpu.memref_slice %arg6[%dma_start3A_69, %dma_start3A_70] : memref<1600x64xf32, #tpu.memory_space<vmem>> -> memref<80x64xf32, #tpu.memory_space<vmem>>
      %dma_start3A_72 = tpu.memref_slice %arg5[%add3A_68] : memref<3200xi32, #tpu.memory_space<vmem>> -> memref<80xi32, #tpu.memory_space<vmem>>
      %dma_start3A_73 = arith.constant 0 : i32
      %dma_start3A_74 = arith.constant 0 : i32
      %dma_start3A_75 = tpu.memref_slice %arg2[%dma_start3A_73, %dma_start3A_74] : memref<100000x64xf32, #tpu.memory_space<hbm>> -> memref<100000x64xf32, #tpu.memory_space<hbm>>
      tpu.enqueue_indirect_dma source(%dma_start3A_75 : memref<100000x64xf32, #tpu.memory_space<hbm>>) target(%dma_start3A_71 : memref<80x64xf32, #tpu.memory_space<vmem>>) offsets(%dma_start3A_72 : memref<80xi32, #tpu.memory_space<vmem>>) semaphore(%arg7 : memref<!tpu.dma_semaphore, #tpu.memory_space<semaphore_mem>>)
      %mul3A_76 = arith.constant 1600 : i32
      %mul3A_77 = arith.muli %scan3A_10, %mul3A_76 : i32
      %add3A_78 = arith.constant 480 : i32
      %add3A_79 = arith.addi %mul3A_77, %add3A_78 : i32
      %dma_start3A_80 = arith.constant 480 : i32
      %dma_start3A_81 = arith.constant 0 : i32
      %dma_start3A_82 = tpu.memref_slice %arg6[%dma_start3A_80, %dma_start3A_81] : memref<1600x64xf32, #tpu.memory_space<vmem>> -> memref<80x64xf32, #tpu.memory_space<vmem>>
      %dma_start3A_83 = tpu.memref_slice %arg5[%add3A_79] : memref<3200xi32, #tpu.memory_space<vmem>> -> memref<80xi32, #tpu.memory_space<vmem>>
      %dma_start3A_84 = arith.constant 0 : i32
      %dma_start3A_85 = arith.constant 0 : i32
      %dma_start3A_86 = tpu.memref_slice %arg2[%dma_start3A_84, %dma_start3A_85] : memref<100000x64xf32, #tpu.memory_space<hbm>> -> memref<100000x64xf32, #tpu.memory_space<hbm>>
      tpu.enqueue_indirect_dma source(%dma_start3A_86 : memref<100000x64xf32, #tpu.memory_space<hbm>>) target(%dma_start3A_82 : memref<80x64xf32, #tpu.memory_space<vmem>>) offsets(%dma_start3A_83 : memref<80xi32, #tpu.memory_space<vmem>>) semaphore(%arg7 : memref<!tpu.dma_semaphore, #tpu.memory_space<semaphore_mem>>)
      %mul3A_87 = arith.constant 1600 : i32
      %mul3A_88 = arith.muli %scan3A_10, %mul3A_87 : i32
      %add3A_89 = arith.constant 560 : i32
      %add3A_90 = arith.addi %mul3A_88, %add3A_89 : i32
      %dma_start3A_91 = arith.constant 560 : i32
      %dma_start3A_92 = arith.constant 0 : i32
      %dma_start3A_93 = tpu.memref_slice %arg6[%dma_start3A_91, %dma_start3A_92] : memref<1600x64xf32, #tpu.memory_space<vmem>> -> memref<80x64xf32, #tpu.memory_space<vmem>>
      %dma_start3A_94 = tpu.memref_slice %arg5[%add3A_90] : memref<3200xi32, #tpu.memory_space<vmem>> -> memref<80xi32, #tpu.memory_space<vmem>>
      %dma_start3A_95 = arith.constant 0 : i32
      %dma_start3A_96 = arith.constant 0 : i32
      %dma_start3A_97 = tpu.memref_slice %arg2[%dma_start3A_95, %dma_start3A_96] : memref<100000x64xf32, #tpu.memory_space<hbm>> -> memref<100000x64xf32, #tpu.memory_space<hbm>>
      tpu.enqueue_indirect_dma source(%dma_start3A_97 : memref<100000x64xf32, #tpu.memory_space<hbm>>) target(%dma_start3A_93 : memref<80x64xf32, #tpu.memory_space<vmem>>) offsets(%dma_start3A_94 : memref<80xi32, #tpu.memory_space<vmem>>) semaphore(%arg7 : memref<!tpu.dma_semaphore, #tpu.memory_space<semaphore_mem>>)
      %mul3A_98 = arith.constant 1600 : i32
      %mul3A_99 = arith.muli %scan3A_10, %mul3A_98 : i32
      %add3A_100 = arith.constant 640 : i32
      %add3A_101 = arith.addi %mul3A_99, %add3A_100 : i32
      %dma_start3A_102 = arith.constant 640 : i32
      %dma_start3A_103 = arith.constant 0 : i32
      %dma_start3A_104 = tpu.memref_slice %arg6[%dma_start3A_102, %dma_start3A_103] : memref<1600x64xf32, #tpu.memory_space<vmem>> -> memref<80x64xf32, #tpu.memory_space<vmem>>
      %dma_start3A_105 = tpu.memref_slice %arg5[%add3A_101] : memref<3200xi32, #tpu.memory_space<vmem>> -> memref<80xi32, #tpu.memory_space<vmem>>
      %dma_start3A_106 = arith.constant 0 : i32
      %dma_start3A_107 = arith.constant 0 : i32
      %dma_start3A_108 = tpu.memref_slice %arg2[%dma_start3A_106, %dma_start3A_107] : memref<100000x64xf32, #tpu.memory_space<hbm>> -> memref<100000x64xf32, #tpu.memory_space<hbm>>
      tpu.enqueue_indirect_dma source(%dma_start3A_108 : memref<100000x64xf32, #tpu.memory_space<hbm>>) target(%dma_start3A_104 : memref<80x64xf32, #tpu.memory_space<vmem>>) offsets(%dma_start3A_105 : memref<80xi32, #tpu.memory_space<vmem>>) semaphore(%arg7 : memref<!tpu.dma_semaphore, #tpu.memory_space<semaphore_mem>>)
      %mul3A_109 = arith.constant 1600 : i32
      %mul3A_110 = arith.muli %scan3A_10, %mul3A_109 : i32
      %add3A_111 = arith.constant 720 : i32
      %add3A_112 = arith.addi %mul3A_110, %add3A_111 : i32
      %dma_start3A_113 = arith.constant 720 : i32
      %dma_start3A_114 = arith.constant 0 : i32
      %dma_start3A_115 = tpu.memref_slice %arg6[%dma_start3A_113, %dma_start3A_114] : memref<1600x64xf32, #tpu.memory_space<vmem>> -> memref<80x64xf32, #tpu.memory_space<vmem>>
      %dma_start3A_116 = tpu.memref_slice %arg5[%add3A_112] : memref<3200xi32, #tpu.memory_space<vmem>> -> memref<80xi32, #tpu.memory_space<vmem>>
      %dma_start3A_117 = arith.constant 0 : i32
      %dma_start3A_118 = arith.constant 0 : i32
      %dma_start3A_119 = tpu.memref_slice %arg2[%dma_start3A_117, %dma_start3A_118] : memref<100000x64xf32, #tpu.memory_space<hbm>> -> memref<100000x64xf32, #tpu.memory_space<hbm>>
      tpu.enqueue_indirect_dma source(%dma_start3A_119 : memref<100000x64xf32, #tpu.memory_space<hbm>>) target(%dma_start3A_115 : memref<80x64xf32, #tpu.memory_space<vmem>>) offsets(%dma_start3A_116 : memref<80xi32, #tpu.memory_space<vmem>>) semaphore(%arg7 : memref<!tpu.dma_semaphore, #tpu.memory_space<semaphore_mem>>)
      %mul3A_120 = arith.constant 1600 : i32
      %mul3A_121 = arith.muli %scan3A_10, %mul3A_120 : i32
      %add3A_122 = arith.constant 800 : i32
      %add3A_123 = arith.addi %mul3A_121, %add3A_122 : i32
      %dma_start3A_124 = arith.constant 800 : i32
      %dma_start3A_125 = arith.constant 0 : i32
      %dma_start3A_126 = tpu.memref_slice %arg6[%dma_start3A_124, %dma_start3A_125] : memref<1600x64xf32, #tpu.memory_space<vmem>> -> memref<80x64xf32, #tpu.memory_space<vmem>>
      %dma_start3A_127 = tpu.memref_slice %arg5[%add3A_123] : memref<3200xi32, #tpu.memory_space<vmem>> -> memref<80xi32, #tpu.memory_space<vmem>>
      %dma_start3A_128 = arith.constant 0 : i32
      %dma_start3A_129 = arith.constant 0 : i32
      %dma_start3A_130 = tpu.memref_slice %arg2[%dma_start3A_128, %dma_start3A_129] : memref<100000x64xf32, #tpu.memory_space<hbm>> -> memref<100000x64xf32, #tpu.memory_space<hbm>>
      tpu.enqueue_indirect_dma source(%dma_start3A_130 : memref<100000x64xf32, #tpu.memory_space<hbm>>) target(%dma_start3A_126 : memref<80x64xf32, #tpu.memory_space<vmem>>) offsets(%dma_start3A_127 : memref<80xi32, #tpu.memory_space<vmem>>) semaphore(%arg7 : memref<!tpu.dma_semaphore, #tpu.memory_space<semaphore_mem>>)
      %mul3A_131 = arith.constant 1600 : i32
      %mul3A_132 = arith.muli %scan3A_10, %mul3A_131 : i32
      %add3A_133 = arith.constant 880 : i32
      %add3A_134 = arith.addi %mul3A_132, %add3A_133 : i32
      %dma_start3A_135 = arith.constant 880 : i32
      %dma_start3A_136 = arith.constant 0 : i32
      %dma_start3A_137 = tpu.memref_slice %arg6[%dma_start3A_135, %dma_start3A_136] : memref<1600x64xf32, #tpu.memory_space<vmem>> -> memref<80x64xf32, #tpu.memory_space<vmem>>
      %dma_start3A_138 = tpu.memref_slice %arg5[%add3A_134] : memref<3200xi32, #tpu.memory_space<vmem>> -> memref<80xi32, #tpu.memory_space<vmem>>
      %dma_start3A_139 = arith.constant 0 : i32
      %dma_start3A_140 = arith.constant 0 : i32
      %dma_start3A_141 = tpu.memref_slice %arg2[%dma_start3A_139, %dma_start3A_140] : memref<100000x64xf32, #tpu.memory_space<hbm>> -> memref<100000x64xf32, #tpu.memory_space<hbm>>
      tpu.enqueue_indirect_dma source(%dma_start3A_141 : memref<100000x64xf32, #tpu.memory_space<hbm>>) target(%dma_start3A_137 : memref<80x64xf32, #tpu.memory_space<vmem>>) offsets(%dma_start3A_138 : memref<80xi32, #tpu.memory_space<vmem>>) semaphore(%arg7 : memref<!tpu.dma_semaphore, #tpu.memory_space<semaphore_mem>>)
      %mul3A_142 = arith.constant 1600 : i32
      %mul3A_143 = arith.muli %scan3A_10, %mul3A_142 : i32
      %add3A_144 = arith.constant 960 : i32
      %add3A_145 = arith.addi %mul3A_143, %add3A_144 : i32
      %dma_start3A_146 = arith.constant 960 : i32
      %dma_start3A_147 = arith.constant 0 : i32
      %dma_start3A_148 = tpu.memref_slice %arg6[%dma_start3A_146, %dma_start3A_147] : memref<1600x64xf32, #tpu.memory_space<vmem>> -> memref<80x64xf32, #tpu.memory_space<vmem>>
      %dma_start3A_149 = tpu.memref_slice %arg5[%add3A_145] : memref<3200xi32, #tpu.memory_space<vmem>> -> memref<80xi32, #tpu.memory_space<vmem>>
      %dma_start3A_150 = arith.constant 0 : i32
      %dma_start3A_151 = arith.constant 0 : i32
      %dma_start3A_152 = tpu.memref_slice %arg2[%dma_start3A_150, %dma_start3A_151] : memref<100000x64xf32, #tpu.memory_space<hbm>> -> memref<100000x64xf32, #tpu.memory_space<hbm>>
      tpu.enqueue_indirect_dma source(%dma_start3A_152 : memref<100000x64xf32, #tpu.memory_space<hbm>>) target(%dma_start3A_148 : memref<80x64xf32, #tpu.memory_space<vmem>>) offsets(%dma_start3A_149 : memref<80xi32, #tpu.memory_space<vmem>>) semaphore(%arg7 : memref<!tpu.dma_semaphore, #tpu.memory_space<semaphore_mem>>)
      %mul3A_153 = arith.constant 1600 : i32
      %mul3A_154 = arith.muli %scan3A_10, %mul3A_153 : i32
      %add3A_155 = arith.constant 1040 : i32
      %add3A_156 = arith.addi %mul3A_154, %add3A_155 : i32
      %dma_start3A_157 = arith.constant 1040 : i32
      %dma_start3A_158 = arith.constant 0 : i32
      %dma_start3A_159 = tpu.memref_slice %arg6[%dma_start3A_157, %dma_start3A_158] : memref<1600x64xf32, #tpu.memory_space<vmem>> -> memref<80x64xf32, #tpu.memory_space<vmem>>
      %dma_start3A_160 = tpu.memref_slice %arg5[%add3A_156] : memref<3200xi32, #tpu.memory_space<vmem>> -> memref<80xi32, #tpu.memory_space<vmem>>
      %dma_start3A_161 = arith.constant 0 : i32
      %dma_start3A_162 = arith.constant 0 : i32
      %dma_start3A_163 = tpu.memref_slice %arg2[%dma_start3A_161, %dma_start3A_162] : memref<100000x64xf32, #tpu.memory_space<hbm>> -> memref<100000x64xf32, #tpu.memory_space<hbm>>
      tpu.enqueue_indirect_dma source(%dma_start3A_163 : memref<100000x64xf32, #tpu.memory_space<hbm>>) target(%dma_start3A_159 : memref<80x64xf32, #tpu.memory_space<vmem>>) offsets(%dma_start3A_160 : memref<80xi32, #tpu.memory_space<vmem>>) semaphore(%arg7 : memref<!tpu.dma_semaphore, #tpu.memory_space<semaphore_mem>>)
      %mul3A_164 = arith.constant 1600 : i32
      %mul3A_165 = arith.muli %scan3A_10, %mul3A_164 : i32
      %add3A_166 = arith.constant 1120 : i32
      %add3A_167 = arith.addi %mul3A_165, %add3A_166 : i32
      %dma_start3A_168 = arith.constant 1120 : i32
      %dma_start3A_169 = arith.constant 0 : i32
      %dma_start3A_170 = tpu.memref_slice %arg6[%dma_start3A_168, %dma_start3A_169] : memref<1600x64xf32, #tpu.memory_space<vmem>> -> memref<80x64xf32, #tpu.memory_space<vmem>>
      %dma_start3A_171 = tpu.memref_slice %arg5[%add3A_167] : memref<3200xi32, #tpu.memory_space<vmem>> -> memref<80xi32, #tpu.memory_space<vmem>>
      %dma_start3A_172 = arith.constant 0 : i32
      %dma_start3A_173 = arith.constant 0 : i32
      %dma_start3A_174 = tpu.memref_slice %arg2[%dma_start3A_172, %dma_start3A_173] : memref<100000x64xf32, #tpu.memory_space<hbm>> -> memref<100000x64xf32, #tpu.memory_space<hbm>>
      tpu.enqueue_indirect_dma source(%dma_start3A_174 : memref<100000x64xf32, #tpu.memory_space<hbm>>) target(%dma_start3A_170 : memref<80x64xf32, #tpu.memory_space<vmem>>) offsets(%dma_start3A_171 : memref<80xi32, #tpu.memory_space<vmem>>) semaphore(%arg7 : memref<!tpu.dma_semaphore, #tpu.memory_space<semaphore_mem>>)
      %mul3A_175 = arith.constant 1600 : i32
      %mul3A_176 = arith.muli %scan3A_10, %mul3A_175 : i32
      %add3A_177 = arith.constant 1200 : i32
      %add3A_178 = arith.addi %mul3A_176, %add3A_177 : i32
      %dma_start3A_179 = arith.constant 1200 : i32
      %dma_start3A_180 = arith.constant 0 : i32
      %dma_start3A_181 = tpu.memref_slice %arg6[%dma_start3A_179, %dma_start3A_180] : memref<1600x64xf32, #tpu.memory_space<vmem>> -> memref<80x64xf32, #tpu.memory_space<vmem>>
      %dma_start3A_182 = tpu.memref_slice %arg5[%add3A_178] : memref<3200xi32, #tpu.memory_space<vmem>> -> memref<80xi32, #tpu.memory_space<vmem>>
      %dma_start3A_183 = arith.constant 0 : i32
      %dma_start3A_184 = arith.constant 0 : i32
      %dma_start3A_185 = tpu.memref_slice %arg2[%dma_start3A_183, %dma_start3A_184] : memref<100000x64xf32, #tpu.memory_space<hbm>> -> memref<100000x64xf32, #tpu.memory_space<hbm>>
      tpu.enqueue_indirect_dma source(%dma_start3A_185 : memref<100000x64xf32, #tpu.memory_space<hbm>>) target(%dma_start3A_181 : memref<80x64xf32, #tpu.memory_space<vmem>>) offsets(%dma_start3A_182 : memref<80xi32, #tpu.memory_space<vmem>>) semaphore(%arg7 : memref<!tpu.dma_semaphore, #tpu.memory_space<semaphore_mem>>)
      %mul3A_186 = arith.constant 1600 : i32
      %mul3A_187 = arith.muli %scan3A_10, %mul3A_186 : i32
      %add3A_188 = arith.constant 1280 : i32
      %add3A_189 = arith.addi %mul3A_187, %add3A_188 : i32
      %dma_start3A_190 = arith.constant 1280 : i32
      %dma_start3A_191 = arith.constant 0 : i32
      %dma_start3A_192 = tpu.memref_slice %arg6[%dma_start3A_190, %dma_start3A_191] : memref<1600x64xf32, #tpu.memory_space<vmem>> -> memref<80x64xf32, #tpu.memory_space<vmem>>
      %dma_start3A_193 = tpu.memref_slice %arg5[%add3A_189] : memref<3200xi32, #tpu.memory_space<vmem>> -> memref<80xi32, #tpu.memory_space<vmem>>
      %dma_start3A_194 = arith.constant 0 : i32
      %dma_start3A_195 = arith.constant 0 : i32
      %dma_start3A_196 = tpu.memref_slice %arg2[%dma_start3A_194, %dma_start3A_195] : memref<100000x64xf32, #tpu.memory_space<hbm>> -> memref<100000x64xf32, #tpu.memory_space<hbm>>
      tpu.enqueue_indirect_dma source(%dma_start3A_196 : memref<100000x64xf32, #tpu.memory_space<hbm>>) target(%dma_start3A_192 : memref<80x64xf32, #tpu.memory_space<vmem>>) offsets(%dma_start3A_193 : memref<80xi32, #tpu.memory_space<vmem>>) semaphore(%arg7 : memref<!tpu.dma_semaphore, #tpu.memory_space<semaphore_mem>>)
      %mul3A_197 = arith.constant 1600 : i32
      %mul3A_198 = arith.muli %scan3A_10, %mul3A_197 : i32
      %add3A_199 = arith.constant 1360 : i32
      %add3A_200 = arith.addi %mul3A_198, %add3A_199 : i32
      %dma_start3A_201 = arith.constant 1360 : i32
      %dma_start3A_202 = arith.constant 0 : i32
      %dma_start3A_203 = tpu.memref_slice %arg6[%dma_start3A_201, %dma_start3A_202] : memref<1600x64xf32, #tpu.memory_space<vmem>> -> memref<80x64xf32, #tpu.memory_space<vmem>>
      %dma_start3A_204 = tpu.memref_slice %arg5[%add3A_200] : memref<3200xi32, #tpu.memory_space<vmem>> -> memref<80xi32, #tpu.memory_space<vmem>>
      %dma_start3A_205 = arith.constant 0 : i32
      %dma_start3A_206 = arith.constant 0 : i32
      %dma_start3A_207 = tpu.memref_slice %arg2[%dma_start3A_205, %dma_start3A_206] : memref<100000x64xf32, #tpu.memory_space<hbm>> -> memref<100000x64xf32, #tpu.memory_space<hbm>>
      tpu.enqueue_indirect_dma source(%dma_start3A_207 : memref<100000x64xf32, #tpu.memory_space<hbm>>) target(%dma_start3A_203 : memref<80x64xf32, #tpu.memory_space<vmem>>) offsets(%dma_start3A_204 : memref<80xi32, #tpu.memory_space<vmem>>) semaphore(%arg7 : memref<!tpu.dma_semaphore, #tpu.memory_space<semaphore_mem>>)
      %mul3A_208 = arith.constant 1600 : i32
      %mul3A_209 = arith.muli %scan3A_10, %mul3A_208 : i32
      %add3A_210 = arith.constant 1440 : i32
      %add3A_211 = arith.addi %mul3A_209, %add3A_210 : i32
      %dma_start3A_212 = arith.constant 1440 : i32
      %dma_start3A_213 = arith.constant 0 : i32
      %dma_start3A_214 = tpu.memref_slice %arg6[%dma_start3A_212, %dma_start3A_213] : memref<1600x64xf32, #tpu.memory_space<vmem>> -> memref<80x64xf32, #tpu.memory_space<vmem>>
      %dma_start3A_215 = tpu.memref_slice %arg5[%add3A_211] : memref<3200xi32, #tpu.memory_space<vmem>> -> memref<80xi32, #tpu.memory_space<vmem>>
      %dma_start3A_216 = arith.constant 0 : i32
      %dma_start3A_217 = arith.constant 0 : i32
      %dma_start3A_218 = tpu.memref_slice %arg2[%dma_start3A_216, %dma_start3A_217] : memref<100000x64xf32, #tpu.memory_space<hbm>> -> memref<100000x64xf32, #tpu.memory_space<hbm>>
      tpu.enqueue_indirect_dma source(%dma_start3A_218 : memref<100000x64xf32, #tpu.memory_space<hbm>>) target(%dma_start3A_214 : memref<80x64xf32, #tpu.memory_space<vmem>>) offsets(%dma_start3A_215 : memref<80xi32, #tpu.memory_space<vmem>>) semaphore(%arg7 : memref<!tpu.dma_semaphore, #tpu.memory_space<semaphore_mem>>)
      %mul3A_219 = arith.constant 1600 : i32
      %mul3A_220 = arith.muli %scan3A_10, %mul3A_219 : i32
      %add3A_221 = arith.constant 1520 : i32
      %add3A_222 = arith.addi %mul3A_220, %add3A_221 : i32
      %dma_start3A_223 = arith.constant 1520 : i32
      %dma_start3A_224 = arith.constant 0 : i32
      %dma_start3A_225 = tpu.memref_slice %arg6[%dma_start3A_223, %dma_start3A_224] : memref<1600x64xf32, #tpu.memory_space<vmem>> -> memref<80x64xf32, #tpu.memory_space<vmem>>
      %dma_start3A_226 = tpu.memref_slice %arg5[%add3A_222] : memref<3200xi32, #tpu.memory_space<vmem>> -> memref<80xi32, #tpu.memory_space<vmem>>
      %dma_start3A_227 = arith.constant 0 : i32
      %dma_start3A_228 = arith.constant 0 : i32
      %dma_start3A_229 = tpu.memref_slice %arg2[%dma_start3A_227, %dma_start3A_228] : memref<100000x64xf32, #tpu.memory_space<hbm>> -> memref<100000x64xf32, #tpu.memory_space<hbm>>
      tpu.enqueue_indirect_dma source(%dma_start3A_229 : memref<100000x64xf32, #tpu.memory_space<hbm>>) target(%dma_start3A_225 : memref<80x64xf32, #tpu.memory_space<vmem>>) offsets(%dma_start3A_226 : memref<80xi32, #tpu.memory_space<vmem>>) semaphore(%arg7 : memref<!tpu.dma_semaphore, #tpu.memory_space<semaphore_mem>>)
      %dma_wait3A = arith.constant 0 : i32
      %dma_wait3A_230 = arith.constant 0 : i32
      %dma_wait3A_231 = tpu.memref_slice %arg6[%dma_wait3A, %dma_wait3A_230] : memref<1600x64xf32, #tpu.memory_space<vmem>> -> memref<80x64xf32, #tpu.memory_space<vmem>>
      %dma_wait3A_232 = tpu.memref_slice %arg5[%add3A_14] : memref<3200xi32, #tpu.memory_space<vmem>> -> memref<80xi32, #tpu.memory_space<vmem>>
      %dma_wait3A_233 = arith.constant 0 : i32
      %dma_wait3A_234 = arith.constant 0 : i32
      %dma_wait3A_235 = tpu.memref_slice %arg2[%dma_wait3A_233, %dma_wait3A_234] : memref<100000x64xf32, #tpu.memory_space<hbm>> -> memref<100000x64xf32, #tpu.memory_space<hbm>>
      tpu.wait_indirect_dma semaphore(%arg7 : memref<!tpu.dma_semaphore, #tpu.memory_space<semaphore_mem>>) src(%dma_wait3A_235 : memref<100000x64xf32, #tpu.memory_space<hbm>>) dst(%dma_wait3A_231 : memref<80x64xf32, #tpu.memory_space<vmem>>)
      %dma_wait3A_236 = arith.constant 80 : i32
      %dma_wait3A_237 = arith.constant 0 : i32
      %dma_wait3A_238 = tpu.memref_slice %arg6[%dma_wait3A_236, %dma_wait3A_237] : memref<1600x64xf32, #tpu.memory_space<vmem>> -> memref<80x64xf32, #tpu.memory_space<vmem>>
      %dma_wait3A_239 = tpu.memref_slice %arg5[%add3A_24] : memref<3200xi32, #tpu.memory_space<vmem>> -> memref<80xi32, #tpu.memory_space<vmem>>
      %dma_wait3A_240 = arith.constant 0 : i32
      %dma_wait3A_241 = arith.constant 0 : i32
      %dma_wait3A_242 = tpu.memref_slice %arg2[%dma_wait3A_240, %dma_wait3A_241] : memref<100000x64xf32, #tpu.memory_space<hbm>> -> memref<100000x64xf32, #tpu.memory_space<hbm>>
      tpu.wait_indirect_dma semaphore(%arg7 : memref<!tpu.dma_semaphore, #tpu.memory_space<semaphore_mem>>) src(%dma_wait3A_242 : memref<100000x64xf32, #tpu.memory_space<hbm>>) dst(%dma_wait3A_238 : memref<80x64xf32, #tpu.memory_space<vmem>>)
      %dma_wait3A_243 = arith.constant 160 : i32
      %dma_wait3A_244 = arith.constant 0 : i32
      %dma_wait3A_245 = tpu.memref_slice %arg6[%dma_wait3A_243, %dma_wait3A_244] : memref<1600x64xf32, #tpu.memory_space<vmem>> -> memref<80x64xf32, #tpu.memory_space<vmem>>
      %dma_wait3A_246 = tpu.memref_slice %arg5[%add3A_35] : memref<3200xi32, #tpu.memory_space<vmem>> -> memref<80xi32, #tpu.memory_space<vmem>>
      %dma_wait3A_247 = arith.constant 0 : i32
      %dma_wait3A_248 = arith.constant 0 : i32
      %dma_wait3A_249 = tpu.memref_slice %arg2[%dma_wait3A_247, %dma_wait3A_248] : memref<100000x64xf32, #tpu.memory_space<hbm>> -> memref<100000x64xf32, #tpu.memory_space<hbm>>
      tpu.wait_indirect_dma semaphore(%arg7 : memref<!tpu.dma_semaphore, #tpu.memory_space<semaphore_mem>>) src(%dma_wait3A_249 : memref<100000x64xf32, #tpu.memory_space<hbm>>) dst(%dma_wait3A_245 : memref<80x64xf32, #tpu.memory_space<vmem>>)
      %dma_wait3A_250 = arith.constant 240 : i32
      %dma_wait3A_251 = arith.constant 0 : i32
      %dma_wait3A_252 = tpu.memref_slice %arg6[%dma_wait3A_250, %dma_wait3A_251] : memref<1600x64xf32, #tpu.memory_space<vmem>> -> memref<80x64xf32, #tpu.memory_space<vmem>>
      %dma_wait3A_253 = tpu.memref_slice %arg5[%add3A_46] : memref<3200xi32, #tpu.memory_space<vmem>> -> memref<80xi32, #tpu.memory_space<vmem>>
      %dma_wait3A_254 = arith.constant 0 : i32
      %dma_wait3A_255 = arith.constant 0 : i32
      %dma_wait3A_256 = tpu.memref_slice %arg2[%dma_wait3A_254, %dma_wait3A_255] : memref<100000x64xf32, #tpu.memory_space<hbm>> -> memref<100000x64xf32, #tpu.memory_space<hbm>>
      tpu.wait_indirect_dma semaphore(%arg7 : memref<!tpu.dma_semaphore, #tpu.memory_space<semaphore_mem>>) src(%dma_wait3A_256 : memref<100000x64xf32, #tpu.memory_space<hbm>>) dst(%dma_wait3A_252 : memref<80x64xf32, #tpu.memory_space<vmem>>)
      %dma_wait3A_257 = arith.constant 320 : i32
      %dma_wait3A_258 = arith.constant 0 : i32
      %dma_wait3A_259 = tpu.memref_slice %arg6[%dma_wait3A_257, %dma_wait3A_258] : memref<1600x64xf32, #tpu.memory_space<vmem>> -> memref<80x64xf32, #tpu.memory_space<vmem>>
      %dma_wait3A_260 = tpu.memref_slice %arg5[%add3A_57] : memref<3200xi32, #tpu.memory_space<vmem>> -> memref<80xi32, #tpu.memory_space<vmem>>
      %dma_wait3A_261 = arith.constant 0 : i32
      %dma_wait3A_262 = arith.constant 0 : i32
      %dma_wait3A_263 = tpu.memref_slice %arg2[%dma_wait3A_261, %dma_wait3A_262] : memref<100000x64xf32, #tpu.memory_space<hbm>> -> memref<100000x64xf32, #tpu.memory_space<hbm>>
      tpu.wait_indirect_dma semaphore(%arg7 : memref<!tpu.dma_semaphore, #tpu.memory_space<semaphore_mem>>) src(%dma_wait3A_263 : memref<100000x64xf32, #tpu.memory_space<hbm>>) dst(%dma_wait3A_259 : memref<80x64xf32, #tpu.memory_space<vmem>>)
      %dma_wait3A_264 = arith.constant 400 : i32
      %dma_wait3A_265 = arith.constant 0 : i32
      %dma_wait3A_266 = tpu.memref_slice %arg6[%dma_wait3A_264, %dma_wait3A_265] : memref<1600x64xf32, #tpu.memory_space<vmem>> -> memref<80x64xf32, #tpu.memory_space<vmem>>
      %dma_wait3A_267 = tpu.memref_slice %arg5[%add3A_68] : memref<3200xi32, #tpu.memory_space<vmem>> -> memref<80xi32, #tpu.memory_space<vmem>>
      %dma_wait3A_268 = arith.constant 0 : i32
      %dma_wait3A_269 = arith.constant 0 : i32
      %dma_wait3A_270 = tpu.memref_slice %arg2[%dma_wait3A_268, %dma_wait3A_269] : memref<100000x64xf32, #tpu.memory_space<hbm>> -> memref<100000x64xf32, #tpu.memory_space<hbm>>
      tpu.wait_indirect_dma semaphore(%arg7 : memref<!tpu.dma_semaphore, #tpu.memory_space<semaphore_mem>>) src(%dma_wait3A_270 : memref<100000x64xf32, #tpu.memory_space<hbm>>) dst(%dma_wait3A_266 : memref<80x64xf32, #tpu.memory_space<vmem>>)
      %dma_wait3A_271 = arith.constant 480 : i32
      %dma_wait3A_272 = arith.constant 0 : i32
      %dma_wait3A_273 = tpu.memref_slice %arg6[%dma_wait3A_271, %dma_wait3A_272] : memref<1600x64xf32, #tpu.memory_space<vmem>> -> memref<80x64xf32, #tpu.memory_space<vmem>>
      %dma_wait3A_274 = tpu.memref_slice %arg5[%add3A_79] : memref<3200xi32, #tpu.memory_space<vmem>> -> memref<80xi32, #tpu.memory_space<vmem>>
      %dma_wait3A_275 = arith.constant 0 : i32
      %dma_wait3A_276 = arith.constant 0 : i32
      %dma_wait3A_277 = tpu.memref_slice %arg2[%dma_wait3A_275, %dma_wait3A_276] : memref<100000x64xf32, #tpu.memory_space<hbm>> -> memref<100000x64xf32, #tpu.memory_space<hbm>>
      tpu.wait_indirect_dma semaphore(%arg7 : memref<!tpu.dma_semaphore, #tpu.memory_space<semaphore_mem>>) src(%dma_wait3A_277 : memref<100000x64xf32, #tpu.memory_space<hbm>>) dst(%dma_wait3A_273 : memref<80x64xf32, #tpu.memory_space<vmem>>)
      %dma_wait3A_278 = arith.constant 560 : i32
      %dma_wait3A_279 = arith.constant 0 : i32
      %dma_wait3A_280 = tpu.memref_slice %arg6[%dma_wait3A_278, %dma_wait3A_279] : memref<1600x64xf32, #tpu.memory_space<vmem>> -> memref<80x64xf32, #tpu.memory_space<vmem>>
      %dma_wait3A_281 = tpu.memref_slice %arg5[%add3A_90] : memref<3200xi32, #tpu.memory_space<vmem>> -> memref<80xi32, #tpu.memory_space<vmem>>
      %dma_wait3A_282 = arith.constant 0 : i32
      %dma_wait3A_283 = arith.constant 0 : i32
      %dma_wait3A_284 = tpu.memref_slice %arg2[%dma_wait3A_282, %dma_wait3A_283] : memref<100000x64xf32, #tpu.memory_space<hbm>> -> memref<100000x64xf32, #tpu.memory_space<hbm>>
      tpu.wait_indirect_dma semaphore(%arg7 : memref<!tpu.dma_semaphore, #tpu.memory_space<semaphore_mem>>) src(%dma_wait3A_284 : memref<100000x64xf32, #tpu.memory_space<hbm>>) dst(%dma_wait3A_280 : memref<80x64xf32, #tpu.memory_space<vmem>>)
      %dma_wait3A_285 = arith.constant 640 : i32
      %dma_wait3A_286 = arith.constant 0 : i32
      %dma_wait3A_287 = tpu.memref_slice %arg6[%dma_wait3A_285, %dma_wait3A_286] : memref<1600x64xf32, #tpu.memory_space<vmem>> -> memref<80x64xf32, #tpu.memory_space<vmem>>
      %dma_wait3A_288 = tpu.memref_slice %arg5[%add3A_101] : memref<3200xi32, #tpu.memory_space<vmem>> -> memref<80xi32, #tpu.memory_space<vmem>>
      %dma_wait3A_289 = arith.constant 0 : i32
      %dma_wait3A_290 = arith.constant 0 : i32
      %dma_wait3A_291 = tpu.memref_slice %arg2[%dma_wait3A_289, %dma_wait3A_290] : memref<100000x64xf32, #tpu.memory_space<hbm>> -> memref<100000x64xf32, #tpu.memory_space<hbm>>
      tpu.wait_indirect_dma semaphore(%arg7 : memref<!tpu.dma_semaphore, #tpu.memory_space<semaphore_mem>>) src(%dma_wait3A_291 : memref<100000x64xf32, #tpu.memory_space<hbm>>) dst(%dma_wait3A_287 : memref<80x64xf32, #tpu.memory_space<vmem>>)
      %dma_wait3A_292 = arith.constant 720 : i32
      %dma_wait3A_293 = arith.constant 0 : i32
      %dma_wait3A_294 = tpu.memref_slice %arg6[%dma_wait3A_292, %dma_wait3A_293] : memref<1600x64xf32, #tpu.memory_space<vmem>> -> memref<80x64xf32, #tpu.memory_space<vmem>>
      %dma_wait3A_295 = tpu.memref_slice %arg5[%add3A_112] : memref<3200xi32, #tpu.memory_space<vmem>> -> memref<80xi32, #tpu.memory_space<vmem>>
      %dma_wait3A_296 = arith.constant 0 : i32
      %dma_wait3A_297 = arith.constant 0 : i32
      %dma_wait3A_298 = tpu.memref_slice %arg2[%dma_wait3A_296, %dma_wait3A_297] : memref<100000x64xf32, #tpu.memory_space<hbm>> -> memref<100000x64xf32, #tpu.memory_space<hbm>>
      tpu.wait_indirect_dma semaphore(%arg7 : memref<!tpu.dma_semaphore, #tpu.memory_space<semaphore_mem>>) src(%dma_wait3A_298 : memref<100000x64xf32, #tpu.memory_space<hbm>>) dst(%dma_wait3A_294 : memref<80x64xf32, #tpu.memory_space<vmem>>)
      %dma_wait3A_299 = arith.constant 800 : i32
      %dma_wait3A_300 = arith.constant 0 : i32
      %dma_wait3A_301 = tpu.memref_slice %arg6[%dma_wait3A_299, %dma_wait3A_300] : memref<1600x64xf32, #tpu.memory_space<vmem>> -> memref<80x64xf32, #tpu.memory_space<vmem>>
      %dma_wait3A_302 = tpu.memref_slice %arg5[%add3A_123] : memref<3200xi32, #tpu.memory_space<vmem>> -> memref<80xi32, #tpu.memory_space<vmem>>
      %dma_wait3A_303 = arith.constant 0 : i32
      %dma_wait3A_304 = arith.constant 0 : i32
      %dma_wait3A_305 = tpu.memref_slice %arg2[%dma_wait3A_303, %dma_wait3A_304] : memref<100000x64xf32, #tpu.memory_space<hbm>> -> memref<100000x64xf32, #tpu.memory_space<hbm>>
      tpu.wait_indirect_dma semaphore(%arg7 : memref<!tpu.dma_semaphore, #tpu.memory_space<semaphore_mem>>) src(%dma_wait3A_305 : memref<100000x64xf32, #tpu.memory_space<hbm>>) dst(%dma_wait3A_301 : memref<80x64xf32, #tpu.memory_space<vmem>>)
      %dma_wait3A_306 = arith.constant 880 : i32
      %dma_wait3A_307 = arith.constant 0 : i32
      %dma_wait3A_308 = tpu.memref_slice %arg6[%dma_wait3A_306, %dma_wait3A_307] : memref<1600x64xf32, #tpu.memory_space<vmem>> -> memref<80x64xf32, #tpu.memory_space<vmem>>
      %dma_wait3A_309 = tpu.memref_slice %arg5[%add3A_134] : memref<3200xi32, #tpu.memory_space<vmem>> -> memref<80xi32, #tpu.memory_space<vmem>>
      %dma_wait3A_310 = arith.constant 0 : i32
      %dma_wait3A_311 = arith.constant 0 : i32
      %dma_wait3A_312 = tpu.memref_slice %arg2[%dma_wait3A_310, %dma_wait3A_311] : memref<100000x64xf32, #tpu.memory_space<hbm>> -> memref<100000x64xf32, #tpu.memory_space<hbm>>
      tpu.wait_indirect_dma semaphore(%arg7 : memref<!tpu.dma_semaphore, #tpu.memory_space<semaphore_mem>>) src(%dma_wait3A_312 : memref<100000x64xf32, #tpu.memory_space<hbm>>) dst(%dma_wait3A_308 : memref<80x64xf32, #tpu.memory_space<vmem>>)
      %dma_wait3A_313 = arith.constant 960 : i32
      %dma_wait3A_314 = arith.constant 0 : i32
      %dma_wait3A_315 = tpu.memref_slice %arg6[%dma_wait3A_313, %dma_wait3A_314] : memref<1600x64xf32, #tpu.memory_space<vmem>> -> memref<80x64xf32, #tpu.memory_space<vmem>>
      %dma_wait3A_316 = tpu.memref_slice %arg5[%add3A_145] : memref<3200xi32, #tpu.memory_space<vmem>> -> memref<80xi32, #tpu.memory_space<vmem>>
      %dma_wait3A_317 = arith.constant 0 : i32
      %dma_wait3A_318 = arith.constant 0 : i32
      %dma_wait3A_319 = tpu.memref_slice %arg2[%dma_wait3A_317, %dma_wait3A_318] : memref<100000x64xf32, #tpu.memory_space<hbm>> -> memref<100000x64xf32, #tpu.memory_space<hbm>>
      tpu.wait_indirect_dma semaphore(%arg7 : memref<!tpu.dma_semaphore, #tpu.memory_space<semaphore_mem>>) src(%dma_wait3A_319 : memref<100000x64xf32, #tpu.memory_space<hbm>>) dst(%dma_wait3A_315 : memref<80x64xf32, #tpu.memory_space<vmem>>)
      %dma_wait3A_320 = arith.constant 1040 : i32
      %dma_wait3A_321 = arith.constant 0 : i32
      %dma_wait3A_322 = tpu.memref_slice %arg6[%dma_wait3A_320, %dma_wait3A_321] : memref<1600x64xf32, #tpu.memory_space<vmem>> -> memref<80x64xf32, #tpu.memory_space<vmem>>
      %dma_wait3A_323 = tpu.memref_slice %arg5[%add3A_156] : memref<3200xi32, #tpu.memory_space<vmem>> -> memref<80xi32, #tpu.memory_space<vmem>>
      %dma_wait3A_324 = arith.constant 0 : i32
      %dma_wait3A_325 = arith.constant 0 : i32
      %dma_wait3A_326 = tpu.memref_slice %arg2[%dma_wait3A_324, %dma_wait3A_325] : memref<100000x64xf32, #tpu.memory_space<hbm>> -> memref<100000x64xf32, #tpu.memory_space<hbm>>
      tpu.wait_indirect_dma semaphore(%arg7 : memref<!tpu.dma_semaphore, #tpu.memory_space<semaphore_mem>>) src(%dma_wait3A_326 : memref<100000x64xf32, #tpu.memory_space<hbm>>) dst(%dma_wait3A_322 : memref<80x64xf32, #tpu.memory_space<vmem>>)
      %dma_wait3A_327 = arith.constant 1120 : i32
      %dma_wait3A_328 = arith.constant 0 : i32
      %dma_wait3A_329 = tpu.memref_slice %arg6[%dma_wait3A_327, %dma_wait3A_328] : memref<1600x64xf32, #tpu.memory_space<vmem>> -> memref<80x64xf32, #tpu.memory_space<vmem>>
      %dma_wait3A_330 = tpu.memref_slice %arg5[%add3A_167] : memref<3200xi32, #tpu.memory_space<vmem>> -> memref<80xi32, #tpu.memory_space<vmem>>
      %dma_wait3A_331 = arith.constant 0 : i32
      %dma_wait3A_332 = arith.constant 0 : i32
      %dma_wait3A_333 = tpu.memref_slice %arg2[%dma_wait3A_331, %dma_wait3A_332] : memref<100000x64xf32, #tpu.memory_space<hbm>> -> memref<100000x64xf32, #tpu.memory_space<hbm>>
      tpu.wait_indirect_dma semaphore(%arg7 : memref<!tpu.dma_semaphore, #tpu.memory_space<semaphore_mem>>) src(%dma_wait3A_333 : memref<100000x64xf32, #tpu.memory_space<hbm>>) dst(%dma_wait3A_329 : memref<80x64xf32, #tpu.memory_space<vmem>>)
      %dma_wait3A_334 = arith.constant 1200 : i32
      %dma_wait3A_335 = arith.constant 0 : i32
      %dma_wait3A_336 = tpu.memref_slice %arg6[%dma_wait3A_334, %dma_wait3A_335] : memref<1600x64xf32, #tpu.memory_space<vmem>> -> memref<80x64xf32, #tpu.memory_space<vmem>>
      %dma_wait3A_337 = tpu.memref_slice %arg5[%add3A_178] : memref<3200xi32, #tpu.memory_space<vmem>> -> memref<80xi32, #tpu.memory_space<vmem>>
      %dma_wait3A_338 = arith.constant 0 : i32
      %dma_wait3A_339 = arith.constant 0 : i32
      %dma_wait3A_340 = tpu.memref_slice %arg2[%dma_wait3A_338, %dma_wait3A_339] : memref<100000x64xf32, #tpu.memory_space<hbm>> -> memref<100000x64xf32, #tpu.memory_space<hbm>>
      tpu.wait_indirect_dma semaphore(%arg7 : memref<!tpu.dma_semaphore, #tpu.memory_space<semaphore_mem>>) src(%dma_wait3A_340 : memref<100000x64xf32, #tpu.memory_space<hbm>>) dst(%dma_wait3A_336 : memref<80x64xf32, #tpu.memory_space<vmem>>)
      %dma_wait3A_341 = arith.constant 1280 : i32
      %dma_wait3A_342 = arith.constant 0 : i32
      %dma_wait3A_343 = tpu.memref_slice %arg6[%dma_wait3A_341, %dma_wait3A_342] : memref<1600x64xf32, #tpu.memory_space<vmem>> -> memref<80x64xf32, #tpu.memory_space<vmem>>
      %dma_wait3A_344 = tpu.memref_slice %arg5[%add3A_189] : memref<3200xi32, #tpu.memory_space<vmem>> -> memref<80xi32, #tpu.memory_space<vmem>>
      %dma_wait3A_345 = arith.constant 0 : i32
      %dma_wait3A_346 = arith.constant 0 : i32
      %dma_wait3A_347 = tpu.memref_slice %arg2[%dma_wait3A_345, %dma_wait3A_346] : memref<100000x64xf32, #tpu.memory_space<hbm>> -> memref<100000x64xf32, #tpu.memory_space<hbm>>
      tpu.wait_indirect_dma semaphore(%arg7 : memref<!tpu.dma_semaphore, #tpu.memory_space<semaphore_mem>>) src(%dma_wait3A_347 : memref<100000x64xf32, #tpu.memory_space<hbm>>) dst(%dma_wait3A_343 : memref<80x64xf32, #tpu.memory_space<vmem>>)
      %dma_wait3A_348 = arith.constant 1360 : i32
      %dma_wait3A_349 = arith.constant 0 : i32
      %dma_wait3A_350 = tpu.memref_slice %arg6[%dma_wait3A_348, %dma_wait3A_349] : memref<1600x64xf32, #tpu.memory_space<vmem>> -> memref<80x64xf32, #tpu.memory_space<vmem>>
      %dma_wait3A_351 = tpu.memref_slice %arg5[%add3A_200] : memref<3200xi32, #tpu.memory_space<vmem>> -> memref<80xi32, #tpu.memory_space<vmem>>
      %dma_wait3A_352 = arith.constant 0 : i32
      %dma_wait3A_353 = arith.constant 0 : i32
      %dma_wait3A_354 = tpu.memref_slice %arg2[%dma_wait3A_352, %dma_wait3A_353] : memref<100000x64xf32, #tpu.memory_space<hbm>> -> memref<100000x64xf32, #tpu.memory_space<hbm>>
      tpu.wait_indirect_dma semaphore(%arg7 : memref<!tpu.dma_semaphore, #tpu.memory_space<semaphore_mem>>) src(%dma_wait3A_354 : memref<100000x64xf32, #tpu.memory_space<hbm>>) dst(%dma_wait3A_350 : memref<80x64xf32, #tpu.memory_space<vmem>>)
      %dma_wait3A_355 = arith.constant 1440 : i32
      %dma_wait3A_356 = arith.constant 0 : i32
      %dma_wait3A_357 = tpu.memref_slice %arg6[%dma_wait3A_355, %dma_wait3A_356] : memref<1600x64xf32, #tpu.memory_space<vmem>> -> memref<80x64xf32, #tpu.memory_space<vmem>>
      %dma_wait3A_358 = tpu.memref_slice %arg5[%add3A_211] : memref<3200xi32, #tpu.memory_space<vmem>> -> memref<80xi32, #tpu.memory_space<vmem>>
      %dma_wait3A_359 = arith.constant 0 : i32
      %dma_wait3A_360 = arith.constant 0 : i32
      %dma_wait3A_361 = tpu.memref_slice %arg2[%dma_wait3A_359, %dma_wait3A_360] : memref<100000x64xf32, #tpu.memory_space<hbm>> -> memref<100000x64xf32, #tpu.memory_space<hbm>>
      tpu.wait_indirect_dma semaphore(%arg7 : memref<!tpu.dma_semaphore, #tpu.memory_space<semaphore_mem>>) src(%dma_wait3A_361 : memref<100000x64xf32, #tpu.memory_space<hbm>>) dst(%dma_wait3A_357 : memref<80x64xf32, #tpu.memory_space<vmem>>)
      %dma_wait3A_362 = arith.constant 1520 : i32
      %dma_wait3A_363 = arith.constant 0 : i32
      %dma_wait3A_364 = tpu.memref_slice %arg6[%dma_wait3A_362, %dma_wait3A_363] : memref<1600x64xf32, #tpu.memory_space<vmem>> -> memref<80x64xf32, #tpu.memory_space<vmem>>
      %dma_wait3A_365 = tpu.memref_slice %arg5[%add3A_222] : memref<3200xi32, #tpu.memory_space<vmem>> -> memref<80xi32, #tpu.memory_space<vmem>>
      %dma_wait3A_366 = arith.constant 0 : i32
      %dma_wait3A_367 = arith.constant 0 : i32
      %dma_wait3A_368 = tpu.memref_slice %arg2[%dma_wait3A_366, %dma_wait3A_367] : memref<100000x64xf32, #tpu.memory_space<hbm>> -> memref<100000x64xf32, #tpu.memory_space<hbm>>
      tpu.wait_indirect_dma semaphore(%arg7 : memref<!tpu.dma_semaphore, #tpu.memory_space<semaphore_mem>>) src(%dma_wait3A_368 : memref<100000x64xf32, #tpu.memory_space<hbm>>) dst(%dma_wait3A_364 : memref<80x64xf32, #tpu.memory_space<vmem>>)
      %mul3A_369 = arith.constant 3200 : i32
      %mul3A_370 = arith.muli %add3A, %mul3A_369 : i32
      %mul3A_371 = arith.constant 1600 : i32
      %mul3A_372 = arith.muli %scan3A_10, %mul3A_371 : i32
      %add3A_373 = arith.addi %mul3A_370, %mul3A_372 : i32
      "tpu.region"() ({
        %run_scoped3A = tpu.sem_alloc : memref<!tpu.dma_semaphore, #tpu.memory_space<semaphore_mem>>
        %dma_start3A_374 = arith.constant 0 : i32
        %dma_start3A_375 = tpu.memref_slice %arg4[%add3A_373, %dma_start3A_374] : memref<102400x64xf32, #tpu.memory_space<hbm>> -> memref<1600x64xf32, #tpu.memory_space<hbm>>
        %dma_start3A_376 = arith.constant 0 : i32
        %dma_start3A_377 = tpu.memref_slice %arg4[%add3A_373, %dma_start3A_376] : memref<102400x64xf32, #tpu.memory_space<hbm>> -> memref<1600x64xf32, #tpu.memory_space<hbm>>
        tpu.enqueue_dma source(%arg6 : memref<1600x64xf32, #tpu.memory_space<vmem>>) target(%dma_start3A_377 : memref<1600x64xf32, #tpu.memory_space<hbm>>) target_semaphore(%run_scoped3A : memref<!tpu.dma_semaphore, #tpu.memory_space<semaphore_mem>>)
        %dma_wait3A_378 = arith.constant 0 : i32
        %dma_wait3A_379 = tpu.memref_slice %arg4[%add3A_373, %dma_wait3A_378] : memref<102400x64xf32, #tpu.memory_space<hbm>> -> memref<1600x64xf32, #tpu.memory_space<hbm>>
        %dma_wait3A_380 = arith.constant 0 : i32
        %dma_wait3A_381 = tpu.memref_slice %arg4[%add3A_373, %dma_wait3A_380] : memref<102400x64xf32, #tpu.memory_space<hbm>> -> memref<1600x64xf32, #tpu.memory_space<hbm>>
        tpu.wait_dma2 semaphore(%run_scoped3A : memref<!tpu.dma_semaphore, #tpu.memory_space<semaphore_mem>>) src(%arg6 : memref<1600x64xf32, #tpu.memory_space<vmem>>) dst(%dma_wait3A_381 : memref<1600x64xf32, #tpu.memory_space<hbm>>)
        tpu.yield
      }) : () -> ()
    }
    %scan3A_9 = arith.constant 2 : i32
    return
  }
}

#map = affine_map<(d0, d1) -> (0, 0)>
#map1 = affine_map<(d0, d1) -> (0)>
module attributes {stable_mosaic.version = 14 : i64} {
  func.func @gather_k(%arg0: i32, %arg1: i32, %arg2: memref<100000x64xf32, #tpu.memory_space<hbm>>, %arg3: memref<204800xi32, #tpu.memory_space<hbm>>, %arg4: memref<102400x64xf32, #tpu.memory_space<hbm>>, %arg5: memref<3200xi32, #tpu.memory_space<vmem>>, %arg6: memref<1600x64xf32, #tpu.memory_space<vmem>>, %arg7: memref<!tpu.dma_semaphore, #tpu.memory_space<semaphore_mem>>) attributes {dimension_semantics = [#tpu.dimension_semantics<core_parallel>, #tpu.dimension_semantics<subcore_parallel>], iteration_bounds = array<i64: 2, 16>, scalar_prefetch = 0 : i64, scratch_operands = 3 : i64, tpu.core_type = #tpu.core_type<sc_vector_subcore>, window_params = [{transform_indices = #map}, {transform_indices = #map1}, {transform_indices = #map}]} {
    %mul3A = arith.constant 2 : i32
    %mul3A_0 = arith.muli %arg1, %mul3A : i32
    %add3A = arith.addi %mul3A_0, %arg0 : i32
    %mul3A_1 = arith.constant 3200 : i32
    %mul3A_2 = arith.muli %add3A, %mul3A_1 : i32
    %add3A_3 = arith.constant 0 : i32
    %add3A_4 = arith.addi %add3A_3, %mul3A_2 : i32
    "tpu.region"() ({
      %run_scoped3A = tpu.sem_alloc : memref<!tpu.dma_semaphore, #tpu.memory_space<semaphore_mem>>
      %dma_start3A = tpu.memref_slice %arg3[%add3A_4] : memref<204800xi32, #tpu.memory_space<hbm>> -> memref<3200xi32, #tpu.memory_space<hbm>>
      %dma_start3A_10 = tpu.memref_slice %arg3[%add3A_4] : memref<204800xi32, #tpu.memory_space<hbm>> -> memref<3200xi32, #tpu.memory_space<hbm>>
      tpu.enqueue_dma source(%dma_start3A_10 : memref<3200xi32, #tpu.memory_space<hbm>>) target(%arg5 : memref<3200xi32, #tpu.memory_space<vmem>>) target_semaphore(%run_scoped3A : memref<!tpu.dma_semaphore, #tpu.memory_space<semaphore_mem>>)
      %dma_wait3A = tpu.memref_slice %arg3[%add3A_4] : memref<204800xi32, #tpu.memory_space<hbm>> -> memref<3200xi32, #tpu.memory_space<hbm>>
      %dma_wait3A_11 = tpu.memref_slice %arg3[%add3A_4] : memref<204800xi32, #tpu.memory_space<hbm>> -> memref<3200xi32, #tpu.memory_space<hbm>>
      tpu.wait_dma2 semaphore(%run_scoped3A : memref<!tpu.dma_semaphore, #tpu.memory_space<semaphore_mem>>) src(%dma_wait3A_11 : memref<3200xi32, #tpu.memory_space<hbm>>) dst(%arg5 : memref<3200xi32, #tpu.memory_space<vmem>>)
      tpu.yield
    }) : () -> ()
    %scan3A = arith.constant 0 : i32
    %scan3A_5 = arith.constant 0 : i32
    %scan3A_6 = arith.constant 2 : i32
    %scan3A_7 = arith.addi %scan3A_5, %scan3A_6 : i32
    %scan3A_8 = arith.constant 1 : i32
    scf.for %scan3A_10 = %scan3A_5 to %scan3A_7 step %scan3A_8  : i32 {
      %mul3A_11 = arith.constant 1600 : i32
      %mul3A_12 = arith.muli %scan3A_10, %mul3A_11 : i32
      %add3A_13 = arith.constant 0 : i32
      %add3A_14 = arith.addi %mul3A_12, %add3A_13 : i32
      %dma_start3A = arith.constant 0 : i32
      %dma_start3A_15 = arith.constant 0 : i32
      %dma_start3A_16 = tpu.memref_slice %arg6[%dma_start3A, %dma_start3A_15] : memref<1600x64xf32, #tpu.memory_space<vmem>> -> memref<80x64xf32, #tpu.memory_space<vmem>>
      %dma_start3A_17 = tpu.memref_slice %arg5[%add3A_14] : memref<3200xi32, #tpu.memory_space<vmem>> -> memref<80xi32, #tpu.memory_space<vmem>>
      %dma_start3A_18 = arith.constant 0 : i32
      %dma_start3A_19 = arith.constant 0 : i32
      %dma_start3A_20 = tpu.memref_slice %arg2[%dma_start3A_18, %dma_start3A_19] : memref<100000x64xf32, #tpu.memory_space<hbm>> -> memref<100000x64xf32, #tpu.memory_space<hbm>>
      tpu.enqueue_indirect_dma source(%dma_start3A_20 : memref<100000x64xf32, #tpu.memory_space<hbm>>) target(%dma_start3A_16 : memref<80x64xf32, #tpu.memory_space<vmem>>) offsets(%dma_start3A_17 : memref<80xi32, #tpu.memory_space<vmem>>) semaphore(%arg7 : memref<!tpu.dma_semaphore, #tpu.memory_space<semaphore_mem>>)
      %mul3A_21 = arith.constant 1600 : i32
      %mul3A_22 = arith.muli %scan3A_10, %mul3A_21 : i32
      %add3A_23 = arith.constant 80 : i32
      %add3A_24 = arith.addi %mul3A_22, %add3A_23 : i32
      %dma_start3A_25 = arith.constant 80 : i32
      %dma_start3A_26 = arith.constant 0 : i32
      %dma_start3A_27 = tpu.memref_slice %arg6[%dma_start3A_25, %dma_start3A_26] : memref<1600x64xf32, #tpu.memory_space<vmem>> -> memref<80x64xf32, #tpu.memory_space<vmem>>
      %dma_start3A_28 = tpu.memref_slice %arg5[%add3A_24] : memref<3200xi32, #tpu.memory_space<vmem>> -> memref<80xi32, #tpu.memory_space<vmem>>
      %dma_start3A_29 = arith.constant 0 : i32
      %dma_start3A_30 = arith.constant 0 : i32
      %dma_start3A_31 = tpu.memref_slice %arg2[%dma_start3A_29, %dma_start3A_30] : memref<100000x64xf32, #tpu.memory_space<hbm>> -> memref<100000x64xf32, #tpu.memory_space<hbm>>
      tpu.enqueue_indirect_dma source(%dma_start3A_31 : memref<100000x64xf32, #tpu.memory_space<hbm>>) target(%dma_start3A_27 : memref<80x64xf32, #tpu.memory_space<vmem>>) offsets(%dma_start3A_28 : memref<80xi32, #tpu.memory_space<vmem>>) semaphore(%arg7 : memref<!tpu.dma_semaphore, #tpu.memory_space<semaphore_mem>>)
      %mul3A_32 = arith.constant 1600 : i32
      %mul3A_33 = arith.muli %scan3A_10, %mul3A_32 : i32
      %add3A_34 = arith.constant 160 : i32
      %add3A_35 = arith.addi %mul3A_33, %add3A_34 : i32
      %dma_start3A_36 = arith.constant 160 : i32
      %dma_start3A_37 = arith.constant 0 : i32
      %dma_start3A_38 = tpu.memref_slice %arg6[%dma_start3A_36, %dma_start3A_37] : memref<1600x64xf32, #tpu.memory_space<vmem>> -> memref<80x64xf32, #tpu.memory_space<vmem>>
      %dma_start3A_39 = tpu.memref_slice %arg5[%add3A_35] : memref<3200xi32, #tpu.memory_space<vmem>> -> memref<80xi32, #tpu.memory_space<vmem>>
      %dma_start3A_40 = arith.constant 0 : i32
      %dma_start3A_41 = arith.constant 0 : i32
      %dma_start3A_42 = tpu.memref_slice %arg2[%dma_start3A_40, %dma_start3A_41] : memref<100000x64xf32, #tpu.memory_space<hbm>> -> memref<100000x64xf32, #tpu.memory_space<hbm>>
      tpu.enqueue_indirect_dma source(%dma_start3A_42 : memref<100000x64xf32, #tpu.memory_space<hbm>>) target(%dma_start3A_38 : memref<80x64xf32, #tpu.memory_space<vmem>>) offsets(%dma_start3A_39 : memref<80xi32, #tpu.memory_space<vmem>>) semaphore(%arg7 : memref<!tpu.dma_semaphore, #tpu.memory_space<semaphore_mem>>)
      %mul3A_43 = arith.constant 1600 : i32
      %mul3A_44 = arith.muli %scan3A_10, %mul3A_43 : i32
      %add3A_45 = arith.constant 240 : i32
      %add3A_46 = arith.addi %mul3A_44, %add3A_45 : i32
      %dma_start3A_47 = arith.constant 240 : i32
      %dma_start3A_48 = arith.constant 0 : i32
      %dma_start3A_49 = tpu.memref_slice %arg6[%dma_start3A_47, %dma_start3A_48] : memref<1600x64xf32, #tpu.memory_space<vmem>> -> memref<80x64xf32, #tpu.memory_space<vmem>>
      %dma_start3A_50 = tpu.memref_slice %arg5[%add3A_46] : memref<3200xi32, #tpu.memory_space<vmem>> -> memref<80xi32, #tpu.memory_space<vmem>>
      %dma_start3A_51 = arith.constant 0 : i32
      %dma_start3A_52 = arith.constant 0 : i32
      %dma_start3A_53 = tpu.memref_slice %arg2[%dma_start3A_51, %dma_start3A_52] : memref<100000x64xf32, #tpu.memory_space<hbm>> -> memref<100000x64xf32, #tpu.memory_space<hbm>>
      tpu.enqueue_indirect_dma source(%dma_start3A_53 : memref<100000x64xf32, #tpu.memory_space<hbm>>) target(%dma_start3A_49 : memref<80x64xf32, #tpu.memory_space<vmem>>) offsets(%dma_start3A_50 : memref<80xi32, #tpu.memory_space<vmem>>) semaphore(%arg7 : memref<!tpu.dma_semaphore, #tpu.memory_space<semaphore_mem>>)
      %mul3A_54 = arith.constant 1600 : i32
      %mul3A_55 = arith.muli %scan3A_10, %mul3A_54 : i32
      %add3A_56 = arith.constant 320 : i32
      %add3A_57 = arith.addi %mul3A_55, %add3A_56 : i32
      %dma_start3A_58 = arith.constant 320 : i32
      %dma_start3A_59 = arith.constant 0 : i32
      %dma_start3A_60 = tpu.memref_slice %arg6[%dma_start3A_58, %dma_start3A_59] : memref<1600x64xf32, #tpu.memory_space<vmem>> -> memref<80x64xf32, #tpu.memory_space<vmem>>
      %dma_start3A_61 = tpu.memref_slice %arg5[%add3A_57] : memref<3200xi32, #tpu.memory_space<vmem>> -> memref<80xi32, #tpu.memory_space<vmem>>
      %dma_start3A_62 = arith.constant 0 : i32
      %dma_start3A_63 = arith.constant 0 : i32
      %dma_start3A_64 = tpu.memref_slice %arg2[%dma_start3A_62, %dma_start3A_63] : memref<100000x64xf32, #tpu.memory_space<hbm>> -> memref<100000x64xf32, #tpu.memory_space<hbm>>
      tpu.enqueue_indirect_dma source(%dma_start3A_64 : memref<100000x64xf32, #tpu.memory_space<hbm>>) target(%dma_start3A_60 : memref<80x64xf32, #tpu.memory_space<vmem>>) offsets(%dma_start3A_61 : memref<80xi32, #tpu.memory_space<vmem>>) semaphore(%arg7 : memref<!tpu.dma_semaphore, #tpu.memory_space<semaphore_mem>>)
      %mul3A_65 = arith.constant 1600 : i32
      %mul3A_66 = arith.muli %scan3A_10, %mul3A_65 : i32
      %add3A_67 = arith.constant 400 : i32
      %add3A_68 = arith.addi %mul3A_66, %add3A_67 : i32
      %dma_start3A_69 = arith.constant 400 : i32
      %dma_start3A_70 = arith.constant 0 : i32
      %dma_start3A_71 = tpu.memref_slice %arg6[%dma_start3A_69, %dma_start3A_70] : memref<1600x64xf32, #tpu.memory_space<vmem>> -> memref<80x64xf32, #tpu.memory_space<vmem>>
      %dma_start3A_72 = tpu.memref_slice %arg5[%add3A_68] : memref<3200xi32, #tpu.memory_space<vmem>> -> memref<80xi32, #tpu.memory_space<vmem>>
      %dma_start3A_73 = arith.constant 0 : i32
      %dma_start3A_74 = arith.constant 0 : i32
      %dma_start3A_75 = tpu.memref_slice %arg2[%dma_start3A_73, %dma_start3A_74] : memref<100000x64xf32, #tpu.memory_space<hbm>> -> memref<100000x64xf32, #tpu.memory_space<hbm>>
      tpu.enqueue_indirect_dma source(%dma_start3A_75 : memref<100000x64xf32, #tpu.memory_space<hbm>>) target(%dma_start3A_71 : memref<80x64xf32, #tpu.memory_space<vmem>>) offsets(%dma_start3A_72 : memref<80xi32, #tpu.memory_space<vmem>>) semaphore(%arg7 : memref<!tpu.dma_semaphore, #tpu.memory_space<semaphore_mem>>)
      %mul3A_76 = arith.constant 1600 : i32
      %mul3A_77 = arith.muli %scan3A_10, %mul3A_76 : i32
      %add3A_78 = arith.constant 480 : i32
      %add3A_79 = arith.addi %mul3A_77, %add3A_78 : i32
      %dma_start3A_80 = arith.constant 480 : i32
      %dma_start3A_81 = arith.constant 0 : i32
      %dma_start3A_82 = tpu.memref_slice %arg6[%dma_start3A_80, %dma_start3A_81] : memref<1600x64xf32, #tpu.memory_space<vmem>> -> memref<80x64xf32, #tpu.memory_space<vmem>>
      %dma_start3A_83 = tpu.memref_slice %arg5[%add3A_79] : memref<3200xi32, #tpu.memory_space<vmem>> -> memref<80xi32, #tpu.memory_space<vmem>>
      %dma_start3A_84 = arith.constant 0 : i32
      %dma_start3A_85 = arith.constant 0 : i32
      %dma_start3A_86 = tpu.memref_slice %arg2[%dma_start3A_84, %dma_start3A_85] : memref<100000x64xf32, #tpu.memory_space<hbm>> -> memref<100000x64xf32, #tpu.memory_space<hbm>>
      tpu.enqueue_indirect_dma source(%dma_start3A_86 : memref<100000x64xf32, #tpu.memory_space<hbm>>) target(%dma_start3A_82 : memref<80x64xf32, #tpu.memory_space<vmem>>) offsets(%dma_start3A_83 : memref<80xi32, #tpu.memory_space<vmem>>) semaphore(%arg7 : memref<!tpu.dma_semaphore, #tpu.memory_space<semaphore_mem>>)
      %mul3A_87 = arith.constant 1600 : i32
      %mul3A_88 = arith.muli %scan3A_10, %mul3A_87 : i32
      %add3A_89 = arith.constant 560 : i32
      %add3A_90 = arith.addi %mul3A_88, %add3A_89 : i32
      %dma_start3A_91 = arith.constant 560 : i32
      %dma_start3A_92 = arith.constant 0 : i32
      %dma_start3A_93 = tpu.memref_slice %arg6[%dma_start3A_91, %dma_start3A_92] : memref<1600x64xf32, #tpu.memory_space<vmem>> -> memref<80x64xf32, #tpu.memory_space<vmem>>
      %dma_start3A_94 = tpu.memref_slice %arg5[%add3A_90] : memref<3200xi32, #tpu.memory_space<vmem>> -> memref<80xi32, #tpu.memory_space<vmem>>
      %dma_start3A_95 = arith.constant 0 : i32
      %dma_start3A_96 = arith.constant 0 : i32
      %dma_start3A_97 = tpu.memref_slice %arg2[%dma_start3A_95, %dma_start3A_96] : memref<100000x64xf32, #tpu.memory_space<hbm>> -> memref<100000x64xf32, #tpu.memory_space<hbm>>
      tpu.enqueue_indirect_dma source(%dma_start3A_97 : memref<100000x64xf32, #tpu.memory_space<hbm>>) target(%dma_start3A_93 : memref<80x64xf32, #tpu.memory_space<vmem>>) offsets(%dma_start3A_94 : memref<80xi32, #tpu.memory_space<vmem>>) semaphore(%arg7 : memref<!tpu.dma_semaphore, #tpu.memory_space<semaphore_mem>>)
      %mul3A_98 = arith.constant 1600 : i32
      %mul3A_99 = arith.muli %scan3A_10, %mul3A_98 : i32
      %add3A_100 = arith.constant 640 : i32
      %add3A_101 = arith.addi %mul3A_99, %add3A_100 : i32
      %dma_start3A_102 = arith.constant 640 : i32
      %dma_start3A_103 = arith.constant 0 : i32
      %dma_start3A_104 = tpu.memref_slice %arg6[%dma_start3A_102, %dma_start3A_103] : memref<1600x64xf32, #tpu.memory_space<vmem>> -> memref<80x64xf32, #tpu.memory_space<vmem>>
      %dma_start3A_105 = tpu.memref_slice %arg5[%add3A_101] : memref<3200xi32, #tpu.memory_space<vmem>> -> memref<80xi32, #tpu.memory_space<vmem>>
      %dma_start3A_106 = arith.constant 0 : i32
      %dma_start3A_107 = arith.constant 0 : i32
      %dma_start3A_108 = tpu.memref_slice %arg2[%dma_start3A_106, %dma_start3A_107] : memref<100000x64xf32, #tpu.memory_space<hbm>> -> memref<100000x64xf32, #tpu.memory_space<hbm>>
      tpu.enqueue_indirect_dma source(%dma_start3A_108 : memref<100000x64xf32, #tpu.memory_space<hbm>>) target(%dma_start3A_104 : memref<80x64xf32, #tpu.memory_space<vmem>>) offsets(%dma_start3A_105 : memref<80xi32, #tpu.memory_space<vmem>>) semaphore(%arg7 : memref<!tpu.dma_semaphore, #tpu.memory_space<semaphore_mem>>)
      %mul3A_109 = arith.constant 1600 : i32
      %mul3A_110 = arith.muli %scan3A_10, %mul3A_109 : i32
      %add3A_111 = arith.constant 720 : i32
      %add3A_112 = arith.addi %mul3A_110, %add3A_111 : i32
      %dma_start3A_113 = arith.constant 720 : i32
      %dma_start3A_114 = arith.constant 0 : i32
      %dma_start3A_115 = tpu.memref_slice %arg6[%dma_start3A_113, %dma_start3A_114] : memref<1600x64xf32, #tpu.memory_space<vmem>> -> memref<80x64xf32, #tpu.memory_space<vmem>>
      %dma_start3A_116 = tpu.memref_slice %arg5[%add3A_112] : memref<3200xi32, #tpu.memory_space<vmem>> -> memref<80xi32, #tpu.memory_space<vmem>>
      %dma_start3A_117 = arith.constant 0 : i32
      %dma_start3A_118 = arith.constant 0 : i32
      %dma_start3A_119 = tpu.memref_slice %arg2[%dma_start3A_117, %dma_start3A_118] : memref<100000x64xf32, #tpu.memory_space<hbm>> -> memref<100000x64xf32, #tpu.memory_space<hbm>>
      tpu.enqueue_indirect_dma source(%dma_start3A_119 : memref<100000x64xf32, #tpu.memory_space<hbm>>) target(%dma_start3A_115 : memref<80x64xf32, #tpu.memory_space<vmem>>) offsets(%dma_start3A_116 : memref<80xi32, #tpu.memory_space<vmem>>) semaphore(%arg7 : memref<!tpu.dma_semaphore, #tpu.memory_space<semaphore_mem>>)
      %mul3A_120 = arith.constant 1600 : i32
      %mul3A_121 = arith.muli %scan3A_10, %mul3A_120 : i32
      %add3A_122 = arith.constant 800 : i32
      %add3A_123 = arith.addi %mul3A_121, %add3A_122 : i32
      %dma_start3A_124 = arith.constant 800 : i32
      %dma_start3A_125 = arith.constant 0 : i32
      %dma_start3A_126 = tpu.memref_slice %arg6[%dma_start3A_124, %dma_start3A_125] : memref<1600x64xf32, #tpu.memory_space<vmem>> -> memref<80x64xf32, #tpu.memory_space<vmem>>
      %dma_start3A_127 = tpu.memref_slice %arg5[%add3A_123] : memref<3200xi32, #tpu.memory_space<vmem>> -> memref<80xi32, #tpu.memory_space<vmem>>
      %dma_start3A_128 = arith.constant 0 : i32
      %dma_start3A_129 = arith.constant 0 : i32
      %dma_start3A_130 = tpu.memref_slice %arg2[%dma_start3A_128, %dma_start3A_129] : memref<100000x64xf32, #tpu.memory_space<hbm>> -> memref<100000x64xf32, #tpu.memory_space<hbm>>
      tpu.enqueue_indirect_dma source(%dma_start3A_130 : memref<100000x64xf32, #tpu.memory_space<hbm>>) target(%dma_start3A_126 : memref<80x64xf32, #tpu.memory_space<vmem>>) offsets(%dma_start3A_127 : memref<80xi32, #tpu.memory_space<vmem>>) semaphore(%arg7 : memref<!tpu.dma_semaphore, #tpu.memory_space<semaphore_mem>>)
      %mul3A_131 = arith.constant 1600 : i32
      %mul3A_132 = arith.muli %scan3A_10, %mul3A_131 : i32
      %add3A_133 = arith.constant 880 : i32
      %add3A_134 = arith.addi %mul3A_132, %add3A_133 : i32
      %dma_start3A_135 = arith.constant 880 : i32
      %dma_start3A_136 = arith.constant 0 : i32
      %dma_start3A_137 = tpu.memref_slice %arg6[%dma_start3A_135, %dma_start3A_136] : memref<1600x64xf32, #tpu.memory_space<vmem>> -> memref<80x64xf32, #tpu.memory_space<vmem>>
      %dma_start3A_138 = tpu.memref_slice %arg5[%add3A_134] : memref<3200xi32, #tpu.memory_space<vmem>> -> memref<80xi32, #tpu.memory_space<vmem>>
      %dma_start3A_139 = arith.constant 0 : i32
      %dma_start3A_140 = arith.constant 0 : i32
      %dma_start3A_141 = tpu.memref_slice %arg2[%dma_start3A_139, %dma_start3A_140] : memref<100000x64xf32, #tpu.memory_space<hbm>> -> memref<100000x64xf32, #tpu.memory_space<hbm>>
      tpu.enqueue_indirect_dma source(%dma_start3A_141 : memref<100000x64xf32, #tpu.memory_space<hbm>>) target(%dma_start3A_137 : memref<80x64xf32, #tpu.memory_space<vmem>>) offsets(%dma_start3A_138 : memref<80xi32, #tpu.memory_space<vmem>>) semaphore(%arg7 : memref<!tpu.dma_semaphore, #tpu.memory_space<semaphore_mem>>)
      %mul3A_142 = arith.constant 1600 : i32
      %mul3A_143 = arith.muli %scan3A_10, %mul3A_142 : i32
      %add3A_144 = arith.constant 960 : i32
      %add3A_145 = arith.addi %mul3A_143, %add3A_144 : i32
      %dma_start3A_146 = arith.constant 960 : i32
      %dma_start3A_147 = arith.constant 0 : i32
      %dma_start3A_148 = tpu.memref_slice %arg6[%dma_start3A_146, %dma_start3A_147] : memref<1600x64xf32, #tpu.memory_space<vmem>> -> memref<80x64xf32, #tpu.memory_space<vmem>>
      %dma_start3A_149 = tpu.memref_slice %arg5[%add3A_145] : memref<3200xi32, #tpu.memory_space<vmem>> -> memref<80xi32, #tpu.memory_space<vmem>>
      %dma_start3A_150 = arith.constant 0 : i32
      %dma_start3A_151 = arith.constant 0 : i32
      %dma_start3A_152 = tpu.memref_slice %arg2[%dma_start3A_150, %dma_start3A_151] : memref<100000x64xf32, #tpu.memory_space<hbm>> -> memref<100000x64xf32, #tpu.memory_space<hbm>>
      tpu.enqueue_indirect_dma source(%dma_start3A_152 : memref<100000x64xf32, #tpu.memory_space<hbm>>) target(%dma_start3A_148 : memref<80x64xf32, #tpu.memory_space<vmem>>) offsets(%dma_start3A_149 : memref<80xi32, #tpu.memory_space<vmem>>) semaphore(%arg7 : memref<!tpu.dma_semaphore, #tpu.memory_space<semaphore_mem>>)
      %mul3A_153 = arith.constant 1600 : i32
      %mul3A_154 = arith.muli %scan3A_10, %mul3A_153 : i32
      %add3A_155 = arith.constant 1040 : i32
      %add3A_156 = arith.addi %mul3A_154, %add3A_155 : i32
      %dma_start3A_157 = arith.constant 1040 : i32
      %dma_start3A_158 = arith.constant 0 : i32
      %dma_start3A_159 = tpu.memref_slice %arg6[%dma_start3A_157, %dma_start3A_158] : memref<1600x64xf32, #tpu.memory_space<vmem>> -> memref<80x64xf32, #tpu.memory_space<vmem>>
      %dma_start3A_160 = tpu.memref_slice %arg5[%add3A_156] : memref<3200xi32, #tpu.memory_space<vmem>> -> memref<80xi32, #tpu.memory_space<vmem>>
      %dma_start3A_161 = arith.constant 0 : i32
      %dma_start3A_162 = arith.constant 0 : i32
      %dma_start3A_163 = tpu.memref_slice %arg2[%dma_start3A_161, %dma_start3A_162] : memref<100000x64xf32, #tpu.memory_space<hbm>> -> memref<100000x64xf32, #tpu.memory_space<hbm>>
      tpu.enqueue_indirect_dma source(%dma_start3A_163 : memref<100000x64xf32, #tpu.memory_space<hbm>>) target(%dma_start3A_159 : memref<80x64xf32, #tpu.memory_space<vmem>>) offsets(%dma_start3A_160 : memref<80xi32, #tpu.memory_space<vmem>>) semaphore(%arg7 : memref<!tpu.dma_semaphore, #tpu.memory_space<semaphore_mem>>)
      %mul3A_164 = arith.constant 1600 : i32
      %mul3A_165 = arith.muli %scan3A_10, %mul3A_164 : i32
      %add3A_166 = arith.constant 1120 : i32
      %add3A_167 = arith.addi %mul3A_165, %add3A_166 : i32
      %dma_start3A_168 = arith.constant 1120 : i32
      %dma_start3A_169 = arith.constant 0 : i32
      %dma_start3A_170 = tpu.memref_slice %arg6[%dma_start3A_168, %dma_start3A_169] : memref<1600x64xf32, #tpu.memory_space<vmem>> -> memref<80x64xf32, #tpu.memory_space<vmem>>
      %dma_start3A_171 = tpu.memref_slice %arg5[%add3A_167] : memref<3200xi32, #tpu.memory_space<vmem>> -> memref<80xi32, #tpu.memory_space<vmem>>
      %dma_start3A_172 = arith.constant 0 : i32
      %dma_start3A_173 = arith.constant 0 : i32
      %dma_start3A_174 = tpu.memref_slice %arg2[%dma_start3A_172, %dma_start3A_173] : memref<100000x64xf32, #tpu.memory_space<hbm>> -> memref<100000x64xf32, #tpu.memory_space<hbm>>
      tpu.enqueue_indirect_dma source(%dma_start3A_174 : memref<100000x64xf32, #tpu.memory_space<hbm>>) target(%dma_start3A_170 : memref<80x64xf32, #tpu.memory_space<vmem>>) offsets(%dma_start3A_171 : memref<80xi32, #tpu.memory_space<vmem>>) semaphore(%arg7 : memref<!tpu.dma_semaphore, #tpu.memory_space<semaphore_mem>>)
      %mul3A_175 = arith.constant 1600 : i32
      %mul3A_176 = arith.muli %scan3A_10, %mul3A_175 : i32
      %add3A_177 = arith.constant 1200 : i32
      %add3A_178 = arith.addi %mul3A_176, %add3A_177 : i32
      %dma_start3A_179 = arith.constant 1200 : i32
      %dma_start3A_180 = arith.constant 0 : i32
      %dma_start3A_181 = tpu.memref_slice %arg6[%dma_start3A_179, %dma_start3A_180] : memref<1600x64xf32, #tpu.memory_space<vmem>> -> memref<80x64xf32, #tpu.memory_space<vmem>>
      %dma_start3A_182 = tpu.memref_slice %arg5[%add3A_178] : memref<3200xi32, #tpu.memory_space<vmem>> -> memref<80xi32, #tpu.memory_space<vmem>>
      %dma_start3A_183 = arith.constant 0 : i32
      %dma_start3A_184 = arith.constant 0 : i32
      %dma_start3A_185 = tpu.memref_slice %arg2[%dma_start3A_183, %dma_start3A_184] : memref<100000x64xf32, #tpu.memory_space<hbm>> -> memref<100000x64xf32, #tpu.memory_space<hbm>>
      tpu.enqueue_indirect_dma source(%dma_start3A_185 : memref<100000x64xf32, #tpu.memory_space<hbm>>) target(%dma_start3A_181 : memref<80x64xf32, #tpu.memory_space<vmem>>) offsets(%dma_start3A_182 : memref<80xi32, #tpu.memory_space<vmem>>) semaphore(%arg7 : memref<!tpu.dma_semaphore, #tpu.memory_space<semaphore_mem>>)
      %mul3A_186 = arith.constant 1600 : i32
      %mul3A_187 = arith.muli %scan3A_10, %mul3A_186 : i32
      %add3A_188 = arith.constant 1280 : i32
      %add3A_189 = arith.addi %mul3A_187, %add3A_188 : i32
      %dma_start3A_190 = arith.constant 1280 : i32
      %dma_start3A_191 = arith.constant 0 : i32
      %dma_start3A_192 = tpu.memref_slice %arg6[%dma_start3A_190, %dma_start3A_191] : memref<1600x64xf32, #tpu.memory_space<vmem>> -> memref<80x64xf32, #tpu.memory_space<vmem>>
      %dma_start3A_193 = tpu.memref_slice %arg5[%add3A_189] : memref<3200xi32, #tpu.memory_space<vmem>> -> memref<80xi32, #tpu.memory_space<vmem>>
      %dma_start3A_194 = arith.constant 0 : i32
      %dma_start3A_195 = arith.constant 0 : i32
      %dma_start3A_196 = tpu.memref_slice %arg2[%dma_start3A_194, %dma_start3A_195] : memref<100000x64xf32, #tpu.memory_space<hbm>> -> memref<100000x64xf32, #tpu.memory_space<hbm>>
      tpu.enqueue_indirect_dma source(%dma_start3A_196 : memref<100000x64xf32, #tpu.memory_space<hbm>>) target(%dma_start3A_192 : memref<80x64xf32, #tpu.memory_space<vmem>>) offsets(%dma_start3A_193 : memref<80xi32, #tpu.memory_space<vmem>>) semaphore(%arg7 : memref<!tpu.dma_semaphore, #tpu.memory_space<semaphore_mem>>)
      %mul3A_197 = arith.constant 1600 : i32
      %mul3A_198 = arith.muli %scan3A_10, %mul3A_197 : i32
      %add3A_199 = arith.constant 1360 : i32
      %add3A_200 = arith.addi %mul3A_198, %add3A_199 : i32
      %dma_start3A_201 = arith.constant 1360 : i32
      %dma_start3A_202 = arith.constant 0 : i32
      %dma_start3A_203 = tpu.memref_slice %arg6[%dma_start3A_201, %dma_start3A_202] : memref<1600x64xf32, #tpu.memory_space<vmem>> -> memref<80x64xf32, #tpu.memory_space<vmem>>
      %dma_start3A_204 = tpu.memref_slice %arg5[%add3A_200] : memref<3200xi32, #tpu.memory_space<vmem>> -> memref<80xi32, #tpu.memory_space<vmem>>
      %dma_start3A_205 = arith.constant 0 : i32
      %dma_start3A_206 = arith.constant 0 : i32
      %dma_start3A_207 = tpu.memref_slice %arg2[%dma_start3A_205, %dma_start3A_206] : memref<100000x64xf32, #tpu.memory_space<hbm>> -> memref<100000x64xf32, #tpu.memory_space<hbm>>
      tpu.enqueue_indirect_dma source(%dma_start3A_207 : memref<100000x64xf32, #tpu.memory_space<hbm>>) target(%dma_start3A_203 : memref<80x64xf32, #tpu.memory_space<vmem>>) offsets(%dma_start3A_204 : memref<80xi32, #tpu.memory_space<vmem>>) semaphore(%arg7 : memref<!tpu.dma_semaphore, #tpu.memory_space<semaphore_mem>>)
      %mul3A_208 = arith.constant 1600 : i32
      %mul3A_209 = arith.muli %scan3A_10, %mul3A_208 : i32
      %add3A_210 = arith.constant 1440 : i32
      %add3A_211 = arith.addi %mul3A_209, %add3A_210 : i32
      %dma_start3A_212 = arith.constant 1440 : i32
      %dma_start3A_213 = arith.constant 0 : i32
      %dma_start3A_214 = tpu.memref_slice %arg6[%dma_start3A_212, %dma_start3A_213] : memref<1600x64xf32, #tpu.memory_space<vmem>> -> memref<80x64xf32, #tpu.memory_space<vmem>>
      %dma_start3A_215 = tpu.memref_slice %arg5[%add3A_211] : memref<3200xi32, #tpu.memory_space<vmem>> -> memref<80xi32, #tpu.memory_space<vmem>>
      %dma_start3A_216 = arith.constant 0 : i32
      %dma_start3A_217 = arith.constant 0 : i32
      %dma_start3A_218 = tpu.memref_slice %arg2[%dma_start3A_216, %dma_start3A_217] : memref<100000x64xf32, #tpu.memory_space<hbm>> -> memref<100000x64xf32, #tpu.memory_space<hbm>>
      tpu.enqueue_indirect_dma source(%dma_start3A_218 : memref<100000x64xf32, #tpu.memory_space<hbm>>) target(%dma_start3A_214 : memref<80x64xf32, #tpu.memory_space<vmem>>) offsets(%dma_start3A_215 : memref<80xi32, #tpu.memory_space<vmem>>) semaphore(%arg7 : memref<!tpu.dma_semaphore, #tpu.memory_space<semaphore_mem>>)
      %mul3A_219 = arith.constant 1600 : i32
      %mul3A_220 = arith.muli %scan3A_10, %mul3A_219 : i32
      %add3A_221 = arith.constant 1520 : i32
      %add3A_222 = arith.addi %mul3A_220, %add3A_221 : i32
      %dma_start3A_223 = arith.constant 1520 : i32
      %dma_start3A_224 = arith.constant 0 : i32
      %dma_start3A_225 = tpu.memref_slice %arg6[%dma_start3A_223, %dma_start3A_224] : memref<1600x64xf32, #tpu.memory_space<vmem>> -> memref<80x64xf32, #tpu.memory_space<vmem>>
      %dma_start3A_226 = tpu.memref_slice %arg5[%add3A_222] : memref<3200xi32, #tpu.memory_space<vmem>> -> memref<80xi32, #tpu.memory_space<vmem>>
      %dma_start3A_227 = arith.constant 0 : i32
      %dma_start3A_228 = arith.constant 0 : i32
      %dma_start3A_229 = tpu.memref_slice %arg2[%dma_start3A_227, %dma_start3A_228] : memref<100000x64xf32, #tpu.memory_space<hbm>> -> memref<100000x64xf32, #tpu.memory_space<hbm>>
      tpu.enqueue_indirect_dma source(%dma_start3A_229 : memref<100000x64xf32, #tpu.memory_space<hbm>>) target(%dma_start3A_225 : memref<80x64xf32, #tpu.memory_space<vmem>>) offsets(%dma_start3A_226 : memref<80xi32, #tpu.memory_space<vmem>>) semaphore(%arg7 : memref<!tpu.dma_semaphore, #tpu.memory_space<semaphore_mem>>)
      %dma_wait3A = arith.constant 0 : i32
      %dma_wait3A_230 = arith.constant 0 : i32
      %dma_wait3A_231 = tpu.memref_slice %arg6[%dma_wait3A, %dma_wait3A_230] : memref<1600x64xf32, #tpu.memory_space<vmem>> -> memref<80x64xf32, #tpu.memory_space<vmem>>
      %dma_wait3A_232 = tpu.memref_slice %arg5[%add3A_14] : memref<3200xi32, #tpu.memory_space<vmem>> -> memref<80xi32, #tpu.memory_space<vmem>>
      %dma_wait3A_233 = arith.constant 0 : i32
      %dma_wait3A_234 = arith.constant 0 : i32
      %dma_wait3A_235 = tpu.memref_slice %arg2[%dma_wait3A_233, %dma_wait3A_234] : memref<100000x64xf32, #tpu.memory_space<hbm>> -> memref<100000x64xf32, #tpu.memory_space<hbm>>
      tpu.wait_indirect_dma semaphore(%arg7 : memref<!tpu.dma_semaphore, #tpu.memory_space<semaphore_mem>>) src(%dma_wait3A_235 : memref<100000x64xf32, #tpu.memory_space<hbm>>) dst(%dma_wait3A_231 : memref<80x64xf32, #tpu.memory_space<vmem>>)
      %dma_wait3A_236 = arith.constant 80 : i32
      %dma_wait3A_237 = arith.constant 0 : i32
      %dma_wait3A_238 = tpu.memref_slice %arg6[%dma_wait3A_236, %dma_wait3A_237] : memref<1600x64xf32, #tpu.memory_space<vmem>> -> memref<80x64xf32, #tpu.memory_space<vmem>>
      %dma_wait3A_239 = tpu.memref_slice %arg5[%add3A_24] : memref<3200xi32, #tpu.memory_space<vmem>> -> memref<80xi32, #tpu.memory_space<vmem>>
      %dma_wait3A_240 = arith.constant 0 : i32
      %dma_wait3A_241 = arith.constant 0 : i32
      %dma_wait3A_242 = tpu.memref_slice %arg2[%dma_wait3A_240, %dma_wait3A_241] : memref<100000x64xf32, #tpu.memory_space<hbm>> -> memref<100000x64xf32, #tpu.memory_space<hbm>>
      tpu.wait_indirect_dma semaphore(%arg7 : memref<!tpu.dma_semaphore, #tpu.memory_space<semaphore_mem>>) src(%dma_wait3A_242 : memref<100000x64xf32, #tpu.memory_space<hbm>>) dst(%dma_wait3A_238 : memref<80x64xf32, #tpu.memory_space<vmem>>)
      %dma_wait3A_243 = arith.constant 160 : i32
      %dma_wait3A_244 = arith.constant 0 : i32
      %dma_wait3A_245 = tpu.memref_slice %arg6[%dma_wait3A_243, %dma_wait3A_244] : memref<1600x64xf32, #tpu.memory_space<vmem>> -> memref<80x64xf32, #tpu.memory_space<vmem>>
      %dma_wait3A_246 = tpu.memref_slice %arg5[%add3A_35] : memref<3200xi32, #tpu.memory_space<vmem>> -> memref<80xi32, #tpu.memory_space<vmem>>
      %dma_wait3A_247 = arith.constant 0 : i32
      %dma_wait3A_248 = arith.constant 0 : i32
      %dma_wait3A_249 = tpu.memref_slice %arg2[%dma_wait3A_247, %dma_wait3A_248] : memref<100000x64xf32, #tpu.memory_space<hbm>> -> memref<100000x64xf32, #tpu.memory_space<hbm>>
      tpu.wait_indirect_dma semaphore(%arg7 : memref<!tpu.dma_semaphore, #tpu.memory_space<semaphore_mem>>) src(%dma_wait3A_249 : memref<100000x64xf32, #tpu.memory_space<hbm>>) dst(%dma_wait3A_245 : memref<80x64xf32, #tpu.memory_space<vmem>>)
      %dma_wait3A_250 = arith.constant 240 : i32
      %dma_wait3A_251 = arith.constant 0 : i32
      %dma_wait3A_252 = tpu.memref_slice %arg6[%dma_wait3A_250, %dma_wait3A_251] : memref<1600x64xf32, #tpu.memory_space<vmem>> -> memref<80x64xf32, #tpu.memory_space<vmem>>
      %dma_wait3A_253 = tpu.memref_slice %arg5[%add3A_46] : memref<3200xi32, #tpu.memory_space<vmem>> -> memref<80xi32, #tpu.memory_space<vmem>>
      %dma_wait3A_254 = arith.constant 0 : i32
      %dma_wait3A_255 = arith.constant 0 : i32
      %dma_wait3A_256 = tpu.memref_slice %arg2[%dma_wait3A_254, %dma_wait3A_255] : memref<100000x64xf32, #tpu.memory_space<hbm>> -> memref<100000x64xf32, #tpu.memory_space<hbm>>
      tpu.wait_indirect_dma semaphore(%arg7 : memref<!tpu.dma_semaphore, #tpu.memory_space<semaphore_mem>>) src(%dma_wait3A_256 : memref<100000x64xf32, #tpu.memory_space<hbm>>) dst(%dma_wait3A_252 : memref<80x64xf32, #tpu.memory_space<vmem>>)
      %dma_wait3A_257 = arith.constant 320 : i32
      %dma_wait3A_258 = arith.constant 0 : i32
      %dma_wait3A_259 = tpu.memref_slice %arg6[%dma_wait3A_257, %dma_wait3A_258] : memref<1600x64xf32, #tpu.memory_space<vmem>> -> memref<80x64xf32, #tpu.memory_space<vmem>>
      %dma_wait3A_260 = tpu.memref_slice %arg5[%add3A_57] : memref<3200xi32, #tpu.memory_space<vmem>> -> memref<80xi32, #tpu.memory_space<vmem>>
      %dma_wait3A_261 = arith.constant 0 : i32
      %dma_wait3A_262 = arith.constant 0 : i32
      %dma_wait3A_263 = tpu.memref_slice %arg2[%dma_wait3A_261, %dma_wait3A_262] : memref<100000x64xf32, #tpu.memory_space<hbm>> -> memref<100000x64xf32, #tpu.memory_space<hbm>>
      tpu.wait_indirect_dma semaphore(%arg7 : memref<!tpu.dma_semaphore, #tpu.memory_space<semaphore_mem>>) src(%dma_wait3A_263 : memref<100000x64xf32, #tpu.memory_space<hbm>>) dst(%dma_wait3A_259 : memref<80x64xf32, #tpu.memory_space<vmem>>)
      %dma_wait3A_264 = arith.constant 400 : i32
      %dma_wait3A_265 = arith.constant 0 : i32
      %dma_wait3A_266 = tpu.memref_slice %arg6[%dma_wait3A_264, %dma_wait3A_265] : memref<1600x64xf32, #tpu.memory_space<vmem>> -> memref<80x64xf32, #tpu.memory_space<vmem>>
      %dma_wait3A_267 = tpu.memref_slice %arg5[%add3A_68] : memref<3200xi32, #tpu.memory_space<vmem>> -> memref<80xi32, #tpu.memory_space<vmem>>
      %dma_wait3A_268 = arith.constant 0 : i32
      %dma_wait3A_269 = arith.constant 0 : i32
      %dma_wait3A_270 = tpu.memref_slice %arg2[%dma_wait3A_268, %dma_wait3A_269] : memref<100000x64xf32, #tpu.memory_space<hbm>> -> memref<100000x64xf32, #tpu.memory_space<hbm>>
      tpu.wait_indirect_dma semaphore(%arg7 : memref<!tpu.dma_semaphore, #tpu.memory_space<semaphore_mem>>) src(%dma_wait3A_270 : memref<100000x64xf32, #tpu.memory_space<hbm>>) dst(%dma_wait3A_266 : memref<80x64xf32, #tpu.memory_space<vmem>>)
      %dma_wait3A_271 = arith.constant 480 : i32
      %dma_wait3A_272 = arith.constant 0 : i32
      %dma_wait3A_273 = tpu.memref_slice %arg6[%dma_wait3A_271, %dma_wait3A_272] : memref<1600x64xf32, #tpu.memory_space<vmem>> -> memref<80x64xf32, #tpu.memory_space<vmem>>
      %dma_wait3A_274 = tpu.memref_slice %arg5[%add3A_79] : memref<3200xi32, #tpu.memory_space<vmem>> -> memref<80xi32, #tpu.memory_space<vmem>>
      %dma_wait3A_275 = arith.constant 0 : i32
      %dma_wait3A_276 = arith.constant 0 : i32
      %dma_wait3A_277 = tpu.memref_slice %arg2[%dma_wait3A_275, %dma_wait3A_276] : memref<100000x64xf32, #tpu.memory_space<hbm>> -> memref<100000x64xf32, #tpu.memory_space<hbm>>
      tpu.wait_indirect_dma semaphore(%arg7 : memref<!tpu.dma_semaphore, #tpu.memory_space<semaphore_mem>>) src(%dma_wait3A_277 : memref<100000x64xf32, #tpu.memory_space<hbm>>) dst(%dma_wait3A_273 : memref<80x64xf32, #tpu.memory_space<vmem>>)
      %dma_wait3A_278 = arith.constant 560 : i32
      %dma_wait3A_279 = arith.constant 0 : i32
      %dma_wait3A_280 = tpu.memref_slice %arg6[%dma_wait3A_278, %dma_wait3A_279] : memref<1600x64xf32, #tpu.memory_space<vmem>> -> memref<80x64xf32, #tpu.memory_space<vmem>>
      %dma_wait3A_281 = tpu.memref_slice %arg5[%add3A_90] : memref<3200xi32, #tpu.memory_space<vmem>> -> memref<80xi32, #tpu.memory_space<vmem>>
      %dma_wait3A_282 = arith.constant 0 : i32
      %dma_wait3A_283 = arith.constant 0 : i32
      %dma_wait3A_284 = tpu.memref_slice %arg2[%dma_wait3A_282, %dma_wait3A_283] : memref<100000x64xf32, #tpu.memory_space<hbm>> -> memref<100000x64xf32, #tpu.memory_space<hbm>>
      tpu.wait_indirect_dma semaphore(%arg7 : memref<!tpu.dma_semaphore, #tpu.memory_space<semaphore_mem>>) src(%dma_wait3A_284 : memref<100000x64xf32, #tpu.memory_space<hbm>>) dst(%dma_wait3A_280 : memref<80x64xf32, #tpu.memory_space<vmem>>)
      %dma_wait3A_285 = arith.constant 640 : i32
      %dma_wait3A_286 = arith.constant 0 : i32
      %dma_wait3A_287 = tpu.memref_slice %arg6[%dma_wait3A_285, %dma_wait3A_286] : memref<1600x64xf32, #tpu.memory_space<vmem>> -> memref<80x64xf32, #tpu.memory_space<vmem>>
      %dma_wait3A_288 = tpu.memref_slice %arg5[%add3A_101] : memref<3200xi32, #tpu.memory_space<vmem>> -> memref<80xi32, #tpu.memory_space<vmem>>
      %dma_wait3A_289 = arith.constant 0 : i32
      %dma_wait3A_290 = arith.constant 0 : i32
      %dma_wait3A_291 = tpu.memref_slice %arg2[%dma_wait3A_289, %dma_wait3A_290] : memref<100000x64xf32, #tpu.memory_space<hbm>> -> memref<100000x64xf32, #tpu.memory_space<hbm>>
      tpu.wait_indirect_dma semaphore(%arg7 : memref<!tpu.dma_semaphore, #tpu.memory_space<semaphore_mem>>) src(%dma_wait3A_291 : memref<100000x64xf32, #tpu.memory_space<hbm>>) dst(%dma_wait3A_287 : memref<80x64xf32, #tpu.memory_space<vmem>>)
      %dma_wait3A_292 = arith.constant 720 : i32
      %dma_wait3A_293 = arith.constant 0 : i32
      %dma_wait3A_294 = tpu.memref_slice %arg6[%dma_wait3A_292, %dma_wait3A_293] : memref<1600x64xf32, #tpu.memory_space<vmem>> -> memref<80x64xf32, #tpu.memory_space<vmem>>
      %dma_wait3A_295 = tpu.memref_slice %arg5[%add3A_112] : memref<3200xi32, #tpu.memory_space<vmem>> -> memref<80xi32, #tpu.memory_space<vmem>>
      %dma_wait3A_296 = arith.constant 0 : i32
      %dma_wait3A_297 = arith.constant 0 : i32
      %dma_wait3A_298 = tpu.memref_slice %arg2[%dma_wait3A_296, %dma_wait3A_297] : memref<100000x64xf32, #tpu.memory_space<hbm>> -> memref<100000x64xf32, #tpu.memory_space<hbm>>
      tpu.wait_indirect_dma semaphore(%arg7 : memref<!tpu.dma_semaphore, #tpu.memory_space<semaphore_mem>>) src(%dma_wait3A_298 : memref<100000x64xf32, #tpu.memory_space<hbm>>) dst(%dma_wait3A_294 : memref<80x64xf32, #tpu.memory_space<vmem>>)
      %dma_wait3A_299 = arith.constant 800 : i32
      %dma_wait3A_300 = arith.constant 0 : i32
      %dma_wait3A_301 = tpu.memref_slice %arg6[%dma_wait3A_299, %dma_wait3A_300] : memref<1600x64xf32, #tpu.memory_space<vmem>> -> memref<80x64xf32, #tpu.memory_space<vmem>>
      %dma_wait3A_302 = tpu.memref_slice %arg5[%add3A_123] : memref<3200xi32, #tpu.memory_space<vmem>> -> memref<80xi32, #tpu.memory_space<vmem>>
      %dma_wait3A_303 = arith.constant 0 : i32
      %dma_wait3A_304 = arith.constant 0 : i32
      %dma_wait3A_305 = tpu.memref_slice %arg2[%dma_wait3A_303, %dma_wait3A_304] : memref<100000x64xf32, #tpu.memory_space<hbm>> -> memref<100000x64xf32, #tpu.memory_space<hbm>>
      tpu.wait_indirect_dma semaphore(%arg7 : memref<!tpu.dma_semaphore, #tpu.memory_space<semaphore_mem>>) src(%dma_wait3A_305 : memref<100000x64xf32, #tpu.memory_space<hbm>>) dst(%dma_wait3A_301 : memref<80x64xf32, #tpu.memory_space<vmem>>)
      %dma_wait3A_306 = arith.constant 880 : i32
      %dma_wait3A_307 = arith.constant 0 : i32
      %dma_wait3A_308 = tpu.memref_slice %arg6[%dma_wait3A_306, %dma_wait3A_307] : memref<1600x64xf32, #tpu.memory_space<vmem>> -> memref<80x64xf32, #tpu.memory_space<vmem>>
      %dma_wait3A_309 = tpu.memref_slice %arg5[%add3A_134] : memref<3200xi32, #tpu.memory_space<vmem>> -> memref<80xi32, #tpu.memory_space<vmem>>
      %dma_wait3A_310 = arith.constant 0 : i32
      %dma_wait3A_311 = arith.constant 0 : i32
      %dma_wait3A_312 = tpu.memref_slice %arg2[%dma_wait3A_310, %dma_wait3A_311] : memref<100000x64xf32, #tpu.memory_space<hbm>> -> memref<100000x64xf32, #tpu.memory_space<hbm>>
      tpu.wait_indirect_dma semaphore(%arg7 : memref<!tpu.dma_semaphore, #tpu.memory_space<semaphore_mem>>) src(%dma_wait3A_312 : memref<100000x64xf32, #tpu.memory_space<hbm>>) dst(%dma_wait3A_308 : memref<80x64xf32, #tpu.memory_space<vmem>>)
      %dma_wait3A_313 = arith.constant 960 : i32
      %dma_wait3A_314 = arith.constant 0 : i32
      %dma_wait3A_315 = tpu.memref_slice %arg6[%dma_wait3A_313, %dma_wait3A_314] : memref<1600x64xf32, #tpu.memory_space<vmem>> -> memref<80x64xf32, #tpu.memory_space<vmem>>
      %dma_wait3A_316 = tpu.memref_slice %arg5[%add3A_145] : memref<3200xi32, #tpu.memory_space<vmem>> -> memref<80xi32, #tpu.memory_space<vmem>>
      %dma_wait3A_317 = arith.constant 0 : i32
      %dma_wait3A_318 = arith.constant 0 : i32
      %dma_wait3A_319 = tpu.memref_slice %arg2[%dma_wait3A_317, %dma_wait3A_318] : memref<100000x64xf32, #tpu.memory_space<hbm>> -> memref<100000x64xf32, #tpu.memory_space<hbm>>
      tpu.wait_indirect_dma semaphore(%arg7 : memref<!tpu.dma_semaphore, #tpu.memory_space<semaphore_mem>>) src(%dma_wait3A_319 : memref<100000x64xf32, #tpu.memory_space<hbm>>) dst(%dma_wait3A_315 : memref<80x64xf32, #tpu.memory_space<vmem>>)
      %dma_wait3A_320 = arith.constant 1040 : i32
      %dma_wait3A_321 = arith.constant 0 : i32
      %dma_wait3A_322 = tpu.memref_slice %arg6[%dma_wait3A_320, %dma_wait3A_321] : memref<1600x64xf32, #tpu.memory_space<vmem>> -> memref<80x64xf32, #tpu.memory_space<vmem>>
      %dma_wait3A_323 = tpu.memref_slice %arg5[%add3A_156] : memref<3200xi32, #tpu.memory_space<vmem>> -> memref<80xi32, #tpu.memory_space<vmem>>
      %dma_wait3A_324 = arith.constant 0 : i32
      %dma_wait3A_325 = arith.constant 0 : i32
      %dma_wait3A_326 = tpu.memref_slice %arg2[%dma_wait3A_324, %dma_wait3A_325] : memref<100000x64xf32, #tpu.memory_space<hbm>> -> memref<100000x64xf32, #tpu.memory_space<hbm>>
      tpu.wait_indirect_dma semaphore(%arg7 : memref<!tpu.dma_semaphore, #tpu.memory_space<semaphore_mem>>) src(%dma_wait3A_326 : memref<100000x64xf32, #tpu.memory_space<hbm>>) dst(%dma_wait3A_322 : memref<80x64xf32, #tpu.memory_space<vmem>>)
      %dma_wait3A_327 = arith.constant 1120 : i32
      %dma_wait3A_328 = arith.constant 0 : i32
      %dma_wait3A_329 = tpu.memref_slice %arg6[%dma_wait3A_327, %dma_wait3A_328] : memref<1600x64xf32, #tpu.memory_space<vmem>> -> memref<80x64xf32, #tpu.memory_space<vmem>>
      %dma_wait3A_330 = tpu.memref_slice %arg5[%add3A_167] : memref<3200xi32, #tpu.memory_space<vmem>> -> memref<80xi32, #tpu.memory_space<vmem>>
      %dma_wait3A_331 = arith.constant 0 : i32
      %dma_wait3A_332 = arith.constant 0 : i32
      %dma_wait3A_333 = tpu.memref_slice %arg2[%dma_wait3A_331, %dma_wait3A_332] : memref<100000x64xf32, #tpu.memory_space<hbm>> -> memref<100000x64xf32, #tpu.memory_space<hbm>>
      tpu.wait_indirect_dma semaphore(%arg7 : memref<!tpu.dma_semaphore, #tpu.memory_space<semaphore_mem>>) src(%dma_wait3A_333 : memref<100000x64xf32, #tpu.memory_space<hbm>>) dst(%dma_wait3A_329 : memref<80x64xf32, #tpu.memory_space<vmem>>)
      %dma_wait3A_334 = arith.constant 1200 : i32
      %dma_wait3A_335 = arith.constant 0 : i32
      %dma_wait3A_336 = tpu.memref_slice %arg6[%dma_wait3A_334, %dma_wait3A_335] : memref<1600x64xf32, #tpu.memory_space<vmem>> -> memref<80x64xf32, #tpu.memory_space<vmem>>
      %dma_wait3A_337 = tpu.memref_slice %arg5[%add3A_178] : memref<3200xi32, #tpu.memory_space<vmem>> -> memref<80xi32, #tpu.memory_space<vmem>>
      %dma_wait3A_338 = arith.constant 0 : i32
      %dma_wait3A_339 = arith.constant 0 : i32
      %dma_wait3A_340 = tpu.memref_slice %arg2[%dma_wait3A_338, %dma_wait3A_339] : memref<100000x64xf32, #tpu.memory_space<hbm>> -> memref<100000x64xf32, #tpu.memory_space<hbm>>
      tpu.wait_indirect_dma semaphore(%arg7 : memref<!tpu.dma_semaphore, #tpu.memory_space<semaphore_mem>>) src(%dma_wait3A_340 : memref<100000x64xf32, #tpu.memory_space<hbm>>) dst(%dma_wait3A_336 : memref<80x64xf32, #tpu.memory_space<vmem>>)
      %dma_wait3A_341 = arith.constant 1280 : i32
      %dma_wait3A_342 = arith.constant 0 : i32
      %dma_wait3A_343 = tpu.memref_slice %arg6[%dma_wait3A_341, %dma_wait3A_342] : memref<1600x64xf32, #tpu.memory_space<vmem>> -> memref<80x64xf32, #tpu.memory_space<vmem>>
      %dma_wait3A_344 = tpu.memref_slice %arg5[%add3A_189] : memref<3200xi32, #tpu.memory_space<vmem>> -> memref<80xi32, #tpu.memory_space<vmem>>
      %dma_wait3A_345 = arith.constant 0 : i32
      %dma_wait3A_346 = arith.constant 0 : i32
      %dma_wait3A_347 = tpu.memref_slice %arg2[%dma_wait3A_345, %dma_wait3A_346] : memref<100000x64xf32, #tpu.memory_space<hbm>> -> memref<100000x64xf32, #tpu.memory_space<hbm>>
      tpu.wait_indirect_dma semaphore(%arg7 : memref<!tpu.dma_semaphore, #tpu.memory_space<semaphore_mem>>) src(%dma_wait3A_347 : memref<100000x64xf32, #tpu.memory_space<hbm>>) dst(%dma_wait3A_343 : memref<80x64xf32, #tpu.memory_space<vmem>>)
      %dma_wait3A_348 = arith.constant 1360 : i32
      %dma_wait3A_349 = arith.constant 0 : i32
      %dma_wait3A_350 = tpu.memref_slice %arg6[%dma_wait3A_348, %dma_wait3A_349] : memref<1600x64xf32, #tpu.memory_space<vmem>> -> memref<80x64xf32, #tpu.memory_space<vmem>>
      %dma_wait3A_351 = tpu.memref_slice %arg5[%add3A_200] : memref<3200xi32, #tpu.memory_space<vmem>> -> memref<80xi32, #tpu.memory_space<vmem>>
      %dma_wait3A_352 = arith.constant 0 : i32
      %dma_wait3A_353 = arith.constant 0 : i32
      %dma_wait3A_354 = tpu.memref_slice %arg2[%dma_wait3A_352, %dma_wait3A_353] : memref<100000x64xf32, #tpu.memory_space<hbm>> -> memref<100000x64xf32, #tpu.memory_space<hbm>>
      tpu.wait_indirect_dma semaphore(%arg7 : memref<!tpu.dma_semaphore, #tpu.memory_space<semaphore_mem>>) src(%dma_wait3A_354 : memref<100000x64xf32, #tpu.memory_space<hbm>>) dst(%dma_wait3A_350 : memref<80x64xf32, #tpu.memory_space<vmem>>)
      %dma_wait3A_355 = arith.constant 1440 : i32
      %dma_wait3A_356 = arith.constant 0 : i32
      %dma_wait3A_357 = tpu.memref_slice %arg6[%dma_wait3A_355, %dma_wait3A_356] : memref<1600x64xf32, #tpu.memory_space<vmem>> -> memref<80x64xf32, #tpu.memory_space<vmem>>
      %dma_wait3A_358 = tpu.memref_slice %arg5[%add3A_211] : memref<3200xi32, #tpu.memory_space<vmem>> -> memref<80xi32, #tpu.memory_space<vmem>>
      %dma_wait3A_359 = arith.constant 0 : i32
      %dma_wait3A_360 = arith.constant 0 : i32
      %dma_wait3A_361 = tpu.memref_slice %arg2[%dma_wait3A_359, %dma_wait3A_360] : memref<100000x64xf32, #tpu.memory_space<hbm>> -> memref<100000x64xf32, #tpu.memory_space<hbm>>
      tpu.wait_indirect_dma semaphore(%arg7 : memref<!tpu.dma_semaphore, #tpu.memory_space<semaphore_mem>>) src(%dma_wait3A_361 : memref<100000x64xf32, #tpu.memory_space<hbm>>) dst(%dma_wait3A_357 : memref<80x64xf32, #tpu.memory_space<vmem>>)
      %dma_wait3A_362 = arith.constant 1520 : i32
      %dma_wait3A_363 = arith.constant 0 : i32
      %dma_wait3A_364 = tpu.memref_slice %arg6[%dma_wait3A_362, %dma_wait3A_363] : memref<1600x64xf32, #tpu.memory_space<vmem>> -> memref<80x64xf32, #tpu.memory_space<vmem>>
      %dma_wait3A_365 = tpu.memref_slice %arg5[%add3A_222] : memref<3200xi32, #tpu.memory_space<vmem>> -> memref<80xi32, #tpu.memory_space<vmem>>
      %dma_wait3A_366 = arith.constant 0 : i32
      %dma_wait3A_367 = arith.constant 0 : i32
      %dma_wait3A_368 = tpu.memref_slice %arg2[%dma_wait3A_366, %dma_wait3A_367] : memref<100000x64xf32, #tpu.memory_space<hbm>> -> memref<100000x64xf32, #tpu.memory_space<hbm>>
      tpu.wait_indirect_dma semaphore(%arg7 : memref<!tpu.dma_semaphore, #tpu.memory_space<semaphore_mem>>) src(%dma_wait3A_368 : memref<100000x64xf32, #tpu.memory_space<hbm>>) dst(%dma_wait3A_364 : memref<80x64xf32, #tpu.memory_space<vmem>>)
      %mul3A_369 = arith.constant 3200 : i32
      %mul3A_370 = arith.muli %add3A, %mul3A_369 : i32
      %mul3A_371 = arith.constant 1600 : i32
      %mul3A_372 = arith.muli %scan3A_10, %mul3A_371 : i32
      %add3A_373 = arith.addi %mul3A_370, %mul3A_372 : i32
      "tpu.region"() ({
        %run_scoped3A = tpu.sem_alloc : memref<!tpu.dma_semaphore, #tpu.memory_space<semaphore_mem>>
        %dma_start3A_374 = arith.constant 0 : i32
        %dma_start3A_375 = tpu.memref_slice %arg4[%add3A_373, %dma_start3A_374] : memref<102400x64xf32, #tpu.memory_space<hbm>> -> memref<1600x64xf32, #tpu.memory_space<hbm>>
        %dma_start3A_376 = arith.constant 0 : i32
        %dma_start3A_377 = tpu.memref_slice %arg4[%add3A_373, %dma_start3A_376] : memref<102400x64xf32, #tpu.memory_space<hbm>> -> memref<1600x64xf32, #tpu.memory_space<hbm>>
        tpu.enqueue_dma source(%arg6 : memref<1600x64xf32, #tpu.memory_space<vmem>>) target(%dma_start3A_377 : memref<1600x64xf32, #tpu.memory_space<hbm>>) target_semaphore(%run_scoped3A : memref<!tpu.dma_semaphore, #tpu.memory_space<semaphore_mem>>)
        %dma_wait3A_378 = arith.constant 0 : i32
        %dma_wait3A_379 = tpu.memref_slice %arg4[%add3A_373, %dma_wait3A_378] : memref<102400x64xf32, #tpu.memory_space<hbm>> -> memref<1600x64xf32, #tpu.memory_space<hbm>>
        %dma_wait3A_380 = arith.constant 0 : i32
        %dma_wait3A_381 = tpu.memref_slice %arg4[%add3A_373, %dma_wait3A_380] : memref<102400x64xf32, #tpu.memory_space<hbm>> -> memref<1600x64xf32, #tpu.memory_space<hbm>>
        tpu.wait_dma2 semaphore(%run_scoped3A : memref<!tpu.dma_semaphore, #tpu.memory_space<semaphore_mem>>) src(%arg6 : memref<1600x64xf32, #tpu.memory_space<vmem>>) dst(%dma_wait3A_381 : memref<1600x64xf32, #tpu.memory_space<hbm>>)
        tpu.yield
      }) : () -> ()
    }
    %scan3A_9 = arith.constant 2 : i32
    return
  }
}

module attributes {stable_mosaic.version = 14 : i64} {
  func.func @_mlp_body(%arg0: i32, %arg1: memref<25600x128xf32, #tpu.memory_space<vmem>>, %arg2: memref<3200x128xf32, #tpu.memory_space<vmem>>, %arg3: memref<1x128xf32, #tpu.memory_space<vmem>>, %arg4: memref<128x2xf32, #tpu.memory_space<vmem>>, %arg5: memref<1x2xf32, #tpu.memory_space<vmem>>, %arg6: memref<1024x2xf32, #tpu.memory_space<vmem>>) attributes {dimension_semantics = [#tpu.dimension_semantics<arbitrary>], iteration_bounds = array<i64: 2>, scalar_prefetch = 0 : i64, scratch_operands = 0 : i64, tpu.core_type = #tpu.core_type<tc>, window_params = [{transform_indices = @transform_0, window_bounds = array<i64: 25600, 128>}, {pipeline_mode = #tpu.pipeline_mode<synchronous>, transform_indices = @transform_1, window_bounds = array<i64: 3200, 128>}, {pipeline_mode = #tpu.pipeline_mode<synchronous>, transform_indices = @transform_2, window_bounds = array<i64: 1, 128>}, {pipeline_mode = #tpu.pipeline_mode<synchronous>, transform_indices = @transform_3, window_bounds = array<i64: 128, 2>}, {pipeline_mode = #tpu.pipeline_mode<synchronous>, transform_indices = @transform_4, window_bounds = array<i64: 1, 2>}, {transform_indices = @transform_5, window_bounds = array<i64: 1024, 2>}]} {
    %get3A = arith.constant 0 : index
    %get3A_0 = arith.constant 0 : index
    %get3A_1 = vector.load %arg1[%get3A, %get3A_0] : memref<25600x128xf32, #tpu.memory_space<vmem>>, vector<25600x128xf32>
    %reshape3A = vector.shape_cast %get3A_1 : vector<25600x128xf32> to vector<1024x3200xf32>
    %get3A_2 = arith.constant 0 : index
    %get3A_3 = arith.constant 0 : index
    %get3A_4 = vector.load %arg2[%get3A_2, %get3A_3] : memref<3200x128xf32, #tpu.memory_space<vmem>>, vector<3200x128xf32>
    %dot_general3A = arith.constant dense<0.000000e+00> : vector<1024x128xf32>
    %dot_general3A_5 = tpu.matmul %reshape3A, %get3A_4, %dot_general3A {dimension_numbers = #tpu.dot_dimension_numbers<[1], [0], [0], [1], [0, 0, 1, 1], [], []>, transpose_lhs_hint = false} : vector<1024x3200xf32>, vector<3200x128xf32>, vector<1024x128xf32> -> vector<1024x128xf32>
    %get3A_6 = arith.constant 0 : index
    %get3A_7 = arith.constant 0 : index
    %get3A_8 = vector.load %arg3[%get3A_6, %get3A_7] : memref<1x128xf32, #tpu.memory_space<vmem>>, vector<1x128xf32>
    %add3A = vector.broadcast %get3A_8 : vector<1x128xf32> to vector<1024x128xf32>
    %add3A_9 = arith.addf %dot_general3A_5, %add3A : vector<1024x128xf32>
    %ge3A = arith.constant 0.000000e+00 : f32
    %ge3A_10 = vector.broadcast %ge3A : f32 to vector<1024x128xf32>
    %ge3A_11 = arith.cmpf oge, %add3A_9, %ge3A_10 : vector<1024x128xf32>
    %mul3A = arith.constant 0.00999999977 : f32
    %mul3A_12 = vector.broadcast %mul3A : f32 to vector<1024x128xf32>
    %mul3A_13 = arith.mulf %mul3A_12, %add3A_9 : vector<1024x128xf32>
    %select_n3A = arith.select %ge3A_11, %add3A_9, %mul3A_13 : vector<1024x128xi1>, vector<1024x128xf32>
    %get3A_14 = arith.constant 0 : index
    %get3A_15 = arith.constant 0 : index
    %get3A_16 = vector.load %arg4[%get3A_14, %get3A_15] : memref<128x2xf32, #tpu.memory_space<vmem>>, vector<128x2xf32>
    %dot_general3A_17 = arith.constant dense<0.000000e+00> : vector<1024x2xf32>
    %dot_general3A_18 = tpu.matmul %select_n3A, %get3A_16, %dot_general3A_17 {dimension_numbers = #tpu.dot_dimension_numbers<[1], [0], [0], [1], [0, 0, 1, 1], [], []>, transpose_lhs_hint = false} : vector<1024x128xf32>, vector<128x2xf32>, vector<1024x2xf32> -> vector<1024x2xf32>
    %get3A_19 = arith.constant 0 : index
    %get3A_20 = arith.constant 0 : index
    %get3A_21 = vector.load %arg5[%get3A_19, %get3A_20] : memref<1x2xf32, #tpu.memory_space<vmem>>, vector<1x2xf32>
    %add3A_22 = vector.broadcast %get3A_21 : vector<1x2xf32> to vector<1024x2xf32>
    %add3A_23 = arith.addf %dot_general3A_18, %add3A_22 : vector<1024x2xf32>
    %swap3A = arith.constant 0 : index
    %swap3A_24 = arith.constant 0 : index
    %swap3A_25 = vector.load %arg6[%swap3A, %swap3A_24] : memref<1024x2xf32, #tpu.memory_space<vmem>>, vector<1024x2xf32>
    tpu.vector_store %arg6[%swap3A, %swap3A_24], %add3A_23 {strides = array<i32>} : memref<1024x2xf32, #tpu.memory_space<vmem>>, vector<1024x2xf32>,
    return
  }
  func.func @transform_0(%arg0: i32) -> (i32, i32) {
    %c0_i32 = arith.constant 0 : i32
    %c0_i32_0 = arith.constant 0 : i32
    return %arg0, %c0_i32 : i32, i32
  }
  func.func @transform_1(%arg0: i32) -> (i32, i32) {
    %c0_i32 = arith.constant 0 : i32
    %c0_i32_0 = arith.constant 0 : i32
    %c0_i32_1 = arith.constant 0 : i32
    return %c0_i32, %c0_i32_0 : i32, i32
  }
  func.func @transform_2(%arg0: i32) -> (i32, i32) {
    %c0_i32 = arith.constant 0 : i32
    %c0_i32_0 = arith.constant 0 : i32
    %c0_i32_1 = arith.constant 0 : i32
    return %c0_i32, %c0_i32_0 : i32, i32
  }
  func.func @transform_3(%arg0: i32) -> (i32, i32) {
    %c0_i32 = arith.constant 0 : i32
    %c0_i32_0 = arith.constant 0 : i32
    %c0_i32_1 = arith.constant 0 : i32
    return %c0_i32, %c0_i32_0 : i32, i32
  }
  func.func @transform_4(%arg0: i32) -> (i32, i32) {
    %c0_i32 = arith.constant 0 : i32
    %c0_i32_0 = arith.constant 0 : i32
    %c0_i32_1 = arith.constant 0 : i32
    return %c0_i32, %c0_i32_0 : i32, i32
  }
  func.func @transform_5(%arg0: i32) -> (i32, i32) {
    %c0_i32 = arith.constant 0 : i32
    %c0_i32_0 = arith.constant 0 : i32
    return %arg0, %c0_i32 : i32, i32
  }
}

</mosaic_0001>

<sc_bundles>
// kernel: kernel.6.cloned.1.call-start
scs
__scs_entry_jumppad:
0x0: {  	(pc) =	sbr.rel $0x88, $3  }
0x1: {  	(tag) =	ssettag $0x0;
	lr =	simm.s32 $0x1  }
0x2: {  	[smem:$0x3F9B] =	sst lr;
	_ =	strace $0xD0000000  }
0x3: {  	_ = 	snop  }
0x4: {  	_ = 	snop  }
0x5: {  	_ = 	snop  }
0x6: {  	_ = 	snop  }
0x7: {  	_ = 	snop  }
__scs_overlays_trampoline_lowered:
0x8: {  	[smem:$0x3FAA] =	sst s0  }
0x9: {  	[smem:$0x3FAB] =	sst s1  }
0xa: {  	[smem:$0x3FAC] =	sst s2  }
0xb: {  	[smem:$0x3FAD] =	sst s3  }
0xc: {  	[smem:$0x3FAE] =	sst s4  }
0xd: {  	[smem:$0x3FAF] =	sst s5  }
0xe: {  	[smem:$0x3FB0] =	sst s6  }
0xf: {  	[smem:$0x3FB1] =	sst s7  }
0x10: {  	[smem:$0x3FB2] =	sst s8  }
0x11: {  	[smem:$0x3FB3] =	sst s9;
	s0 =	simm.s32 @!p0 $0x0  }
0x12: {  	s1 =	sld [smem:$0x3F99];
	s0 =	simm.s32 @p0 $0x1  }
0x13: {  	[smem:$0x3FB4] =	sst s0;
	s0 =	simm.s32 @!p1 $0x0  }
0x14: {  	s2 =	sld [smem:$0x3F98];
	s0 =	simm.s32 @p1 $0x1  }
0x15: {  	[smem:$0x3FB5] =	sst s0;
	s0 =	simm.s32 @!p2 $0x0  }
0x16: {  	s3 =	sld [smem:$0x3FDB];
	s0 =	simm.s32 @p2 $0x1  }
0x17: {  	s4 =	simm.s32 $0x1BF5;
	[smem:$0x3FB7] =	sst s0  }
0x18: {  	s0 =	sld [smem:$0x3F9A];
	_ =	swait.ge [sflag:s4], $0x0  }
0x19: {  	s7 =	sld [smem:$0x3F9B]  }
0x1a: {  	s8 =	sadd.s32 $0xFFFFE003, lr  }
0x1b: {  	s9 =	sadd.s32 $0xFFFFFEF7, lr;
	s5 =	simm.s32 $0xFFFFFFFF;
	p2 =	slt.u32 s8, $0xFFFFF086  }
0x1c: {  	p1 =	slt.u32 s9, $0xF7A;
	s5 =	simm.s32 @!p2 $0x0  }
0x1d: {  	s5 =	simm.s32 @p1 $0x1;
	p0 =	seq.s32 s7, s2  }
0x1e: {  	s7 =	smul.u32 @!p0 $0xF7A, s2;
	p2 =	seq.s32 @!p0 s5, $0x0  }
0x1f: {  	s9 =	smul.u32 $0xF7A, s1;
	s8 =	simm.s32 @!p0 $0x1BF5;
	p2 =	por !p2, p0  }
0x20: {  	[sflag:s8] =	ssyncset.s32 @!p0 $0xFFFFF086;
	s6 =	sadd.s32 @!p0 s3, s7;
	s7 =	simm.s32 @!p0 $0x108  }
0x21: {  	s3 =	sadd.s32 s3, s9;
	s6 =	sadd.s32 @!p0 $0x88, s6;
	s7 =	simm.s32 @p2 $0x1082  }
0x22: {  	[simem:s7], [sflag:s8] =	dma.local @!p0 [hbm:s6], $0xF7A  }
0x23: {  	s9 =	sor.u32 $0xD0000000, s2;
	s6 =	simm.s32 $0x108;
	_ =	swait.ge @!p0 [sflag:s8], $0x0  }
0x24: {  	s3 =	sadd.s32 $0x88, s3;
	s6 =	simm.s32 @!p1 $0x1082;
	[sflag:s4] =	ssyncset.s32 $0xFFFFF086  }
0x25: {  	[simem:s6], [sflag:s4] =	dma.local [hbm:s3], $0xF7A  }
0x26: {  	[smem:$0x3F9B] =	sst s1;
	(tag) =	ssettag s2;
	_ =	strace s9  }
0x27: {  	s1 =	sld [smem:$0x3FAB]  }
0x28: {  	s2 =	sld [smem:$0x3FAC]  }
0x29: {  	s4 =	sld [smem:$0x3FAE]  }
0x2a: {  	p0 =	seq.s32 s5, $0x0;
	s5 =	sld [smem:$0x3FAF]  }
0x2b: {  	s6 =	sld [smem:$0x3FB0]  }
0x2c: {  	s7 =	sld [smem:$0x3FB1]  }
0x2d: {  	s3 =	simm.s32 $0x108;
	s8 =	sld [smem:$0x3FB2]  }
0x2e: {  	s3 =	simm.s32 @!p0 $0x1082;
	s9 =	sld [smem:$0x3FB3]  }
0x2f: {  	lr =	sadd.s32 s0, s3;
	s0 =	sld [smem:$0x3FAA]  }
0x30: {  	s3 =	sld [smem:$0x3FAD]  }
0x31: {  	[smem:$0x3FB6] =	sst s10  }
0x32: {  	s10 =	sld [smem:$0x3FB4];
	_ =	sdelay $0x3  }
0x33: {  	p0 =	seq.s32 s10, $0x1;
	s10 =	sld [smem:$0x3FB6];
	_ =	sdelay $0x3  }
0x34: {  	[smem:$0x3FB6] =	sst s10  }
0x35: {  	s10 =	sld [smem:$0x3FB5];
	_ =	sdelay $0x3  }
0x36: {  	p1 =	seq.s32 s10, $0x1;
	s10 =	sld [smem:$0x3FB6];
	_ =	sdelay $0x3  }
0x37: {  	[smem:$0x3FB6] =	sst s10  }
0x38: {  	s10 =	sld [smem:$0x3FB7]  }
0x39: {  	_ = 	snop;
	(pc) =	sbr.ind lr, $3  }
0x3a: {  	_ = 	snop  }
0x3b: {  	_ = 	snop  }
0x3c: {  	p2 =	seq.s32 s10, $0x1;
	s10 =	sld [smem:$0x3FB6]  }
0x3d: {  	_ =	shalt  }
0x3e: {  	_ =	shalt  }
0x3f: {  	_ =	shalt  }
0x40: {  	_ =	shalt  }
0x41: {  	_ =	shalt  }
0x42: {  	_ =	shalt  }
0x43: {  	_ =	shalt  }
0x44: {  	_ =	shalt  }
0x45: {  	_ =	shalt  }
0x46: {  	_ =	shalt  }
0x47: {  	_ =	shalt  }
0x48: {  	_ =	shalt  }
0x49: {  	_ =	shalt  }
0x4a: {  	_ =	shalt  }
0x4b: {  	_ =	shalt  }
0x4c: {  	_ =	shalt  }
0x4d: {  	_ =	shalt  }
0x4e: {  	_ =	shalt  }
0x4f: {  	_ =	shalt  }
0x50: {  	_ =	shalt  }
0x51: {  	_ =	shalt  }
0x52: {  	_ =	shalt  }
0x53: {  	_ =	shalt  }
0x54: {  	_ =	shalt  }
0x55: {  	_ =	shalt  }
0x56: {  	_ =	shalt  }
0x57: {  	_ =	shalt  }
0x58: {  	_ =	shalt  }
0x59: {  	_ =	shalt  }
0x5a: {  	_ =	shalt  }
0x5b: {  	_ =	shalt  }
0x5c: {  	_ =	shalt  }
0x5d: {  	_ =	shalt  }
0x5e: {  	_ =	shalt  }
0x5f: {  	_ =	shalt  }
0x60: {  	_ =	shalt  }
0x61: {  	_ =	shalt  }
0x62: {  	_ =	shalt  }
0x63: {  	_ =	shalt  }
0x64: {  	_ =	shalt  }
0x65: {  	_ =	shalt  }
0x66: {  	_ =	shalt  }
0x67: {  	_ =	shalt  }
0x68: {  	_ =	shalt  }
0x69: {  	_ =	shalt  }
0x6a: {  	_ =	shalt  }
0x6b: {  	_ =	shalt  }
0x6c: {  	_ =	shalt  }
0x6d: {  	_ =	shalt  }
0x6e: {  	_ =	shalt  }
0x6f: {  	_ =	shalt  }
0x70: {  	_ =	shalt  }
0x71: {  	_ =	shalt  }
0x72: {  	_ =	shalt  }
0x73: {  	_ =	shalt  }
0x74: {  	_ =	shalt  }
0x75: {  	_ =	shalt  }
0x76: {  	_ =	shalt  }
0x77: {  	_ =	shalt  }
0x78: {  	_ =	shalt  }
0x79: {  	_ =	shalt  }
0x7a: {  	_ =	shalt  }
0x7b: {  	_ =	shalt  }
0x7c: {  	_ =	shalt  }
0x7d: {  	_ =	shalt  }
0x7e: {  	_ =	shalt  }
0x7f: {  	_ =	shalt  }
0x80: {  	_ =	shalt  }
0x81: {  	_ =	shalt  }
0x82: {  	_ =	shalt  }
0x83: {  	_ =	shalt  }
0x84: {  	_ =	shalt  }
0x85: {  	_ =	shalt  }
0x86: {  	_ =	shalt  }
0x87: {  	_ =	shalt  }
.Lfunc_end0:
.L_simem_size_0:
called_computation_lowered:
.L_overlay_start_0:
0x88: {  	s2 =	sld [smem:$0x3FD9]  }
0x89: {  	s3 =	sld [smem:$0x3FFE];
	_ =	sdelay $0x1  }
0x8a: {  	s1 =	srdreg.scid  }
0x8b: {  	s0 =	sand.u32 $0x1, s1  }
0x8c: {  	s16 =	sshll.u32 s0, $0xA;
	s2 =	sadd.s32 s3, s2  }
0x8d: {  	s2 =	sadd.s32 s2, s16  }
0x8e: {  	[smem:$0x3FC2] =	sst s2  }
0x8f: {  	_ = 	snop  }
0x90: {  	(tm) =	ssettm $0x1  }
0x91: {  	s17 =	sld [smem:$0x3FFB];
	_ =	sdelay $0x3  }
0x92: {  	_ =	strace s17  }
0x93: {  	s2 =	sld [smem:$0x3FFC];
	_ =	sdelay $0x3  }
0x94: {  	_ =	strace s2  }
0x95: {  	s2 =	sld [smem:$0x3FFD];
	_ =	sdelay $0x3  }
0x96: {  	_ =	strace s2  }
0x97: {  	_ =	strace $0x8FFFFFFF  }
0x98: {  	s18 =	sld [smem:$0x3FDB];
	_ =	sdelay $0x1  }
0x99: {  	s19 =	simm.s32 $_scs_section_size  }
0x9a: {  	s4 =	simm.s32 $_size__tile_overlayer_lowered;
	s5 =	simm.s32 $_tile_overlayer_lowered  }
0x9b: {  	s22 =	simm.s32 $0x1BFF;
	s21 =	sshll.u32 s5, $0x1;
	s2 =	sadd.s32 s19, s18  }
0x9c: {  	s6 =	simm.s32 $0x0;
	s20 =	sshll.u32 s4, $0x1;
	s4 =	sadd.s32 s21, s2  }
0x9d: {  	[timem:s6], [sflag:s22] =	dma.local [hbm:s4], s20  }
0x9e: {  	_ =	swait.ge [sflag:s22], s20  }
0x9f: {  	s3 =	ssub.s32 $0x0, s20;
	[sflag:s22] =	ssyncset.done $0x0  }
0xa0: {  	[sflag:s22] =	ssyncadd.s32 s3;
	_ =	sdelay $0x1  }
0xa1: {  	s23 =	simm.s32 $0x1B8B  }
0xa2: {  	_ =	swait.ge [sflag:s23], $0x1  }
0xa3: {  	[sflag:s23] =	ssyncset.done $0x0  }
0xa4: {  	s25 =	simm.s32 $0x1B8E;
	s24 =	sld [smem:$0x3FFE];
	[sflag:s23] =	ssyncadd.s32 $0xFFFFFFFF  }
0xa5: {  	s26 =	simm.s32 $execute0_lowered;
	[smem:$0x3FD2] =	sst s25  }
0xa6: {  	s4 =	sshll.u32 s26, $0x1;
	_ =	strace $0x80000046;
	[dreg:$0x1] =	wrdreg $0xFFFFFFFF  }
0xa7: {  	s28 =	simm.s32 $_size_execute0_lowered;
	s2 =	sadd.s32 s2, s4;
	[dreg:$0x0] =	wrdreg $0x0  }
0xa8: {  	s4 =	sshll.u32 s28, $0x1;
	[dreg:$0x2] =	wrdreg s2  }
0xa9: {  	[dreg:$0x3] =	wrdreg s4  }
0xaa: {  	[dreg:$0x4] =	wrdreg $0xC0  }
0xab: {  	_ =	task [dreg:s6], $0x5FFFF  }
0xac: {  	[dreg:$0x1] =	wrdreg $0xFFFFFFFF  }
0xad: {  	[dreg:$0x0] =	wrdreg $0x60  }
0xae: {  	[dreg:$0x2] =	wrdreg s24  }
0xaf: {  	[dreg:$0x3] =	wrdreg $0x9  }
0xb0: {  	_ =	task.clear_ibuf [dreg:s6], $0x4FFFF;
	_ =	strace $0x90000046  }
0xb1: {  	s29 =	simm.s32 $0x9;
	_ =	strace $0x80000048  }
0xb2: {  	_ =	swait.ge [sflag:s29], $0x1  }
0xb3: {  	[sflag:s29] =	ssyncadd.s32 $0xFFFFFFFF  }
0xb4: {  	_ =	strace $0x90000048  }
0xb5: {  	_ =	sfence  }
0xb6: {  	s30 =	sld [smem:$0x0];
	_ =	sdelay $0x2  }
0xb7: {  	s31 =	sshll.u32 s1, $0xD;
	s1 =	sshrl.u32 s1, $0x2  }
0xb8: {  	s3 =	sand.u32 $0x4000, s31;
	s1 =	sadd.s32 s1, s30  }
0xb9: {  	s0 =	sor.u32 s3, s0;
	s1 =	sshll.u32 s1, $0x11  }
0xba: {  	s0 =	sor.u32 s1, s0  }
0xbb: {  	s0 =	sadd.s32 $0x8F2B, s0  }
0xbc: {  	[sflag:s0] =	ssyncadd.remote.s32 $0x1  }
0xbd: {  	_ =	sfence.sel $0xFFFF  }
0xbe: {  	[dreg:$0x0] =	wrdreg $0xFFFFFFFF;
	(pc) =	sbr.abs _section_cstart, $3  }
0xbf: {  	[dreg:$0x1] =	wrdreg $0xFFFFFFFF  }
0xc0: {  	_ =	task.clear_ibuf [dreg:s6], $0x2FFFF;
	_ =	strace $0x9FFFFFFF  }
0xc1: {  	(tm) =	ssettm $0x7FFFFFFF  }
tec
execute0_lowered:
.L_overlay_start_1:
0x0: {  	(tag) =	ssettag $0x1  }
0x1: {  	s0 =	srdreg.scid;
	s1 =	stileid.u32  }
0x2: {  	s5 =	rddreg [dreg:$0x0];
	s2 =	simm.s32 $0x0;
	s8 =	simm.s32 $0x2  }
0x3: {  	s9 =	simm.s32 $0x50;
	s10 =	simm.s32 $0xC80;
	s11 =	simm.s32 $0x2080  }
0x4: {  	s12 =	simm.s32 $0x3480;
	s13 =	simm.s32 $0x4880;
	s14 =	simm.s32 $0x5C80  }
0x5: {  	s15 =	simm.s32 $0x7080;
	s16 =	simm.s32 $0x8480;
	s17 =	simm.s32 $0x9880  }
0x6: {  	s18 =	simm.s32 $0xAC80;
	s19 =	simm.s32 $0xC080;
	s20 =	simm.s32 $0xD480  }
0x7: {  	s21 =	simm.s32 $0xE880;
	s22 =	simm.s32 $0xFC80;
	s23 =	simm.s32 $0x11080  }
0x8: {  	s24 =	simm.s32 $0x12480;
	s0 =	sand.u32 $0x1, s0;
	s1 =	sshll.u32 s1, $0x1  }
0x9: {  	s25 =	simm.s32 $0x13880;
	s26 =	simm.s32 $0x14C80;
	s1 =	sor.u32 s0, s1  }
0xa: {  	s28 =	simm.s32 $0x16080;
	s29 =	simm.s32 $0x17480;
	s3 =	smul.u32 $0xC80, s1  }
0xb: {  	s30 =	simm.s32 $0x18880;
	s31 =	simm.s32 $0x1;
	s0 =	ssub.s32 $0x2, s0  }
0xc: {  	[smem:$0x7FF] =	sst s2;
	s6 =	sshrl.u32 s0, $0x1;
	s1 =	sshrl.u32 s3, $0x3  }
0xd: {  	s4 =	sadd.s32 $0x187C00, s5;
	s0 =	ssub.s32 s0, s6;
	s1 =	sadd.s32 s1, s5  }
0xe: {  	_ =	strace $0x80000047;
	s7 =	smax.u32 s0, $0x1;
	s1 =	sadd.s32 $0x1200, s1  }
0xf: {  	s5 =	sadd.s32 $0x7600, s5;
	[dreg:$0x2] =	wrdreg s1;
	s1 =	simm.s32 $0x0  }
.LBB2_1:
0x10: {  	s0 =	rddreg [dreg:$0x2]  }
0x11: {  	[tilespmem:s2], [sflag:$0x2] =	stream.linear.gather [hbm4b:s0+s2], $0xC80, $0x38;
	[tilespmem:$0x19C80] =	vst v63  }
0x12: {  	_ =	swait.ge [sflag:s8], $0xC80  }
0x13: {  	[sflag:s8] =	ssyncset.done $0x0  }
0x14: {  	p0 =	por $0x1, $0x1;
	s0 =	simm.s32 $0x0;
	[sflag:s8] =	ssyncadd.s32 $0xFFFFF380  }
.LBB2_2:
0x15: {  	[tilespmem:s10], [sflag:$0x1] =	stream.indirect.gather [hbm4b:s4+s9], $0x40, s0, s9, $0xb8;
	[tilespmem:$0x19C80] =	vst v63  }
0x16: {  	s6 =	sadd.s32 $0x50, s0  }
0x17: {  	[tilespmem:s11], [sflag:$0x1] =	stream.indirect.gather [hbm4b:s4+s9], $0x40, s6, s9, $0xb8;
	[tilespmem:$0x19C80] =	vst v63  }
0x18: {  	s6 =	sadd.s32 $0xA0, s0  }
0x19: {  	[tilespmem:s12], [sflag:$0x1] =	stream.indirect.gather [hbm4b:s4+s9], $0x40, s6, s9, $0xb8;
	[tilespmem:$0x19C80] =	vst v63  }
0x1a: {  	s6 =	sadd.s32 $0xF0, s0  }
0x1b: {  	[tilespmem:s13], [sflag:$0x1] =	stream.indirect.gather [hbm4b:s4+s9], $0x40, s6, s9, $0xb8;
	[tilespmem:$0x19C80] =	vst v63  }
0x1c: {  	s6 =	sadd.s32 $0x140, s0  }
0x1d: {  	[tilespmem:s14], [sflag:$0x1] =	stream.indirect.gather [hbm4b:s4+s9], $0x40, s6, s9, $0xb8;
	[tilespmem:$0x19C80] =	vst v63  }
0x1e: {  	s6 =	sadd.s32 $0x190, s0  }
0x1f: {  	[tilespmem:s15], [sflag:$0x1] =	stream.indirect.gather [hbm4b:s4+s9], $0x40, s6, s9, $0xb8;
	[tilespmem:$0x19C80] =	vst v63  }
0x20: {  	s6 =	sadd.s32 $0x1E0, s0  }
0x21: {  	[tilespmem:s16], [sflag:$0x1] =	stream.indirect.gather [hbm4b:s4+s9], $0x40, s6, s9, $0xb8;
	[tilespmem:$0x19C80] =	vst v63  }
0x22: {  	s6 =	sadd.s32 $0x230, s0  }
0x23: {  	[tilespmem:s17], [sflag:$0x1] =	stream.indirect.gather [hbm4b:s4+s9], $0x40, s6, s9, $0xb8;
	[tilespmem:$0x19C80] =	vst v63  }
0x24: {  	s6 =	sadd.s32 $0x280, s0  }
0x25: {  	[tilespmem:s18], [sflag:$0x1] =	stream.indirect.gather [hbm4b:s4+s9], $0x40, s6, s9, $0xb8;
	[tilespmem:$0x19C80] =	vst v63  }
0x26: {  	s6 =	sadd.s32 $0x2D0, s0  }
0x27: {  	[tilespmem:s19], [sflag:$0x1] =	stream.indirect.gather [hbm4b:s4+s9], $0x40, s6, s9, $0xb8;
	[tilespmem:$0x19C80] =	vst v63  }
0x28: {  	s6 =	sadd.s32 $0x320, s0  }
0x29: {  	[tilespmem:s20], [sflag:$0x1] =	stream.indirect.gather [hbm4b:s4+s9], $0x40, s6, s9, $0xb8;
	[tilespmem:$0x19C80] =	vst v63  }
0x2a: {  	s6 =	sadd.s32 $0x370, s0  }
0x2b: {  	[tilespmem:s21], [sflag:$0x1] =	stream.indirect.gather [hbm4b:s4+s9], $0x40, s6, s9, $0xb8;
	[tilespmem:$0x19C80] =	vst v63  }
0x2c: {  	s6 =	sadd.s32 $0x3C0, s0  }
0x2d: {  	[tilespmem:s22], [sflag:$0x1] =	stream.indirect.gather [hbm4b:s4+s9], $0x40, s6, s9, $0xb8;
	[tilespmem:$0x19C80] =	vst v63  }
0x2e: {  	s6 =	sadd.s32 $0x410, s0  }
0x2f: {  	[tilespmem:s23], [sflag:$0x1] =	stream.indirect.gather [hbm4b:s4+s9], $0x40, s6, s9, $0xb8;
	[tilespmem:$0x19C80] =	vst v63  }
0x30: {  	s6 =	sadd.s32 $0x460, s0  }
0x31: {  	[tilespmem:s24], [sflag:$0x1] =	stream.indirect.gather [hbm4b:s4+s9], $0x40, s6, s9, $0xb8;
	[tilespmem:$0x19C80] =	vst v63  }
0x32: {  	s6 =	sadd.s32 $0x4B0, s0  }
0x33: {  	[tilespmem:s25], [sflag:$0x1] =	stream.indirect.gather [hbm4b:s4+s9], $0x40, s6, s9, $0xb8;
	[tilespmem:$0x19C80] =	vst v63  }
0x34: {  	s6 =	sadd.s32 $0x500, s0  }
0x35: {  	[tilespmem:s26], [sflag:$0x1] =	stream.indirect.gather [hbm4b:s4+s9], $0x40, s6, s9, $0xb8;
	[tilespmem:$0x19C80] =	vst v63  }
0x36: {  	s6 =	sadd.s32 $0x550, s0  }
0x37: {  	[tilespmem:s28], [sflag:$0x1] =	stream.indirect.gather [hbm4b:s4+s9], $0x40, s6, s9, $0xb8;
	[tilespmem:$0x19C80] =	vst v63  }
0x38: {  	s6 =	sadd.s32 $0x5A0, s0  }
0x39: {  	[tilespmem:s29], [sflag:$0x1] =	stream.indirect.gather [hbm4b:s4+s9], $0x40, s6, s9, $0xb8;
	[tilespmem:$0x19C80] =	vst v63  }
0x3a: {  	s6 =	sadd.s32 $0x5F0, s0  }
0x3b: {  	[tilespmem:s30], [sflag:$0x1] =	stream.indirect.gather [hbm4b:s4+s9], $0x40, s6, s9, $0xb8;
	[tilespmem:$0x19C80] =	vst v63  }
0x3c: {  	_ =	swait.ge [sflag:s31], $0x1400  }
0x3d: {  	[sflag:s31] =	ssyncset.done $0x0  }
0x3e: {  	[sflag:s31] =	ssyncadd.s32 $0xFFFFEC00  }
0x3f: {  	_ =	swait.ge [sflag:s31], $0x1400  }
0x40: {  	[sflag:s31] =	ssyncset.done $0x0  }
0x41: {  	[sflag:s31] =	ssyncadd.s32 $0xFFFFEC00  }
0x42: {  	_ =	swait.ge [sflag:s31], $0x1400  }
0x43: {  	[sflag:s31] =	ssyncset.done $0x0  }
0x44: {  	[sflag:s31] =	ssyncadd.s32 $0xFFFFEC00  }
0x45: {  	_ =	swait.ge [sflag:s31], $0x1400  }
0x46: {  	[sflag:s31] =	ssyncset.done $0x0  }
0x47: {  	[sflag:s31] =	ssyncadd.s32 $0xFFFFEC00  }
0x48: {  	_ =	swait.ge [sflag:s31], $0x1400  }
0x49: {  	[sflag:s31] =	ssyncset.done $0x0  }
0x4a: {  	[sflag:s31] =	ssyncadd.s32 $0xFFFFEC00  }
0x4b: {  	_ =	swait.ge [sflag:s31], $0x1400  }
0x4c: {  	[sflag:s31] =	ssyncset.done $0x0  }
0x4d: {  	[sflag:s31] =	ssyncadd.s32 $0xFFFFEC00  }
0x4e: {  	_ =	swait.ge [sflag:s31], $0x1400  }
0x4f: {  	[sflag:s31] =	ssyncset.done $0x0  }
0x50: {  	[sflag:s31] =	ssyncadd.s32 $0xFFFFEC00  }
0x51: {  	_ =	swait.ge [sflag:s31], $0x1400  }
0x52: {  	[sflag:s31] =	ssyncset.done $0x0  }
0x53: {  	[sflag:s31] =	ssyncadd.s32 $0xFFFFEC00  }
0x54: {  	_ =	swait.ge [sflag:s31], $0x1400  }
0x55: {  	[sflag:s31] =	ssyncset.done $0x0  }
0x56: {  	[sflag:s31] =	ssyncadd.s32 $0xFFFFEC00  }
0x57: {  	_ =	swait.ge [sflag:s31], $0x1400  }
0x58: {  	[sflag:s31] =	ssyncset.done $0x0  }
0x59: {  	[sflag:s31] =	ssyncadd.s32 $0xFFFFEC00  }
0x5a: {  	_ =	swait.ge [sflag:s31], $0x1400  }
0x5b: {  	[sflag:s31] =	ssyncset.done $0x0  }
0x5c: {  	[sflag:s31] =	ssyncadd.s32 $0xFFFFEC00  }
0x5d: {  	_ =	swait.ge [sflag:s31], $0x1400  }
0x5e: {  	[sflag:s31] =	ssyncset.done $0x0  }
0x5f: {  	[sflag:s31] =	ssyncadd.s32 $0xFFFFEC00  }
0x60: {  	_ =	swait.ge [sflag:s31], $0x1400  }
0x61: {  	[sflag:s31] =	ssyncset.done $0x0  }
0x62: {  	[sflag:s31] =	ssyncadd.s32 $0xFFFFEC00  }
0x63: {  	_ =	swait.ge [sflag:s31], $0x1400  }
0x64: {  	[sflag:s31] =	ssyncset.done $0x0  }
0x65: {  	[sflag:s31] =	ssyncadd.s32 $0xFFFFEC00  }
0x66: {  	_ =	swait.ge [sflag:s31], $0x1400  }
0x67: {  	[sflag:s31] =	ssyncset.done $0x0  }
0x68: {  	[sflag:s31] =	ssyncadd.s32 $0xFFFFEC00  }
0x69: {  	_ =	swait.ge [sflag:s31], $0x1400  }
0x6a: {  	[sflag:s31] =	ssyncset.done $0x0  }
0x6b: {  	[sflag:s31] =	ssyncadd.s32 $0xFFFFEC00  }
0x6c: {  	_ =	swait.ge [sflag:s31], $0x1400  }
0x6d: {  	[sflag:s31] =	ssyncset.done $0x0  }
0x6e: {  	[sflag:s31] =	ssyncadd.s32 $0xFFFFEC00  }
0x6f: {  	_ =	swait.ge [sflag:s31], $0x1400  }
0x70: {  	[sflag:s31] =	ssyncset.done $0x0  }
0x71: {  	[sflag:s31] =	ssyncadd.s32 $0xFFFFEC00  }
0x72: {  	_ =	swait.ge [sflag:s31], $0x1400  }
0x73: {  	[sflag:s31] =	ssyncset.done $0x0  }
0x74: {  	[sflag:s31] =	ssyncadd.s32 $0xFFFFEC00  }
0x75: {  	s6 =	sadd.s32 s3, s0;
	_ =	swait.ge [sflag:s31], $0x1400  }
0x76: {  	p1 =	por p0, p0;
	s0 =	sshll.u32 s6, $0x3;
	[sflag:s31] =	ssyncset.done $0x0  }
.Ltmp0:
0x77: {  	s0 =	sadd.s32 s5, s0;
	[sflag:s31] =	ssyncadd.s32 $0xFFFFEC00;
	(pc) =	sbr.rel @p1 .LBB2_2-.Ltmp0, $4  }
0x78: {  	[hbm4b:s0+s2] =	stream.linear.scatter [tilespmem:s10], [sflag:$0x2], $0x19000, $0x38;
	[tilespmem:$0x19C80] =	vst v63  }
0x79: {  	_ =	swait.ge [sflag:s8], $0x19000  }
0x7a: {  	[sflag:s8] =	ssyncset.done $0x0  }
0x7b: {  	p0 =	por $0x0, $0x0;
	s0 =	simm.s32 $0x640;
	[sflag:s8] =	ssyncadd.s32 $0xFFFE7000  }
0x7c: {  	s1 =	sadd.s32 $0x1, s1  }
0x7d: {  	p0 =	sne.s32 s1, s7  }
.Ltmp1:
0x7e: {  	_ = 	snop;
	(pc) =	sbr.rel @p0 .LBB2_1-.Ltmp1, $1  }
0x7f: {  	_ =	sdelay $0x3  }
0x80: {  	_ =	sfence.sel $0x180000  }
0x81: {  	[bflag:$0x0] =	sbarrier.arrive $0xFFFF  }
0x82: {  	_ =	strace $0x90000047  }
0x83: {  	s0 =	stileid.u32;
	[bflag:$0x2] =	sbarrier.arrive $0xFFFF  }
0x84: {  	p0 =	sne.s32 s0, $0x0;
	s0 =	rddreg [dreg:$0x1]  }
0x85: {  	s0 =	sadd.s32 @!p0 $0x100000, s0  }
0x86: {  	[sflag:s0] =	ssyncadd.tile.s32 @!p0 $0x1;
	_ =	shalt  }
.Lfunc_end2:
_tile_overlayer_lowered:
.L_overlay_start_2:
0x87: {  	(tag) =	ssettag $0x2  }
0x88: {  	s0 =	rddreg [dreg:$0x0];
	s2 =	stileid.u32  }
0x89: {  	s1 =	rddreg [dreg:$0x1];
	p0 =	sne.s32 s2, $0x0  }
0x8a: {  	s3 =	rddreg [dreg:$0x2];
	[bflag:$0x3] =	sbarrier.arrive $0xFFFF;
	s2 =	simm.s32 @!p0 $0x1C02  }
0x8b: {  	[timem:s3], [sflag:s2] =	dma.local @!p0 [hbm:s0], s1  }
0x8c: {  	s0 =	simm.s32 @!p0 $0x2  }
0x8d: {  	_ =	swait.ge @!p0 [sflag:s0], s1  }
0x8e: {  	s1 =	ssub.s32 @!p0 $0x0, s1;
	[sflag:s0] =	ssyncset.done @!p0 $0x0  }
0x8f: {  	[sflag:s0] =	ssyncadd.s32 @!p0 s1  }
0x90: {  	[bflag:$0x3] =	sbarrier.arrive $0xFFFF  }
0x91: {  	_ =	shalt  }

// kernel: kernel.9.cloned.1.call-start
scs
__scs_entry_jumppad:
0x0: {  	(pc) =	sbr.rel $0x88, $3  }
0x1: {  	(tag) =	ssettag $0x0;
	lr =	simm.s32 $0x1  }
0x2: {  	[smem:$0x3F9B] =	sst lr;
	_ =	strace $0xD0000000  }
0x3: {  	_ = 	snop  }
0x4: {  	_ = 	snop  }
0x5: {  	_ = 	snop  }
0x6: {  	_ = 	snop  }
0x7: {  	_ = 	snop  }
__scs_overlays_trampoline_lowered:
0x8: {  	[smem:$0x3FAA] =	sst s0  }
0x9: {  	[smem:$0x3FAB] =	sst s1  }
0xa: {  	[smem:$0x3FAC] =	sst s2  }
0xb: {  	[smem:$0x3FAD] =	sst s3  }
0xc: {  	[smem:$0x3FAE] =	sst s4  }
0xd: {  	[smem:$0x3FAF] =	sst s5  }
0xe: {  	[smem:$0x3FB0] =	sst s6  }
0xf: {  	[smem:$0x3FB1] =	sst s7  }
0x10: {  	[smem:$0x3FB2] =	sst s8  }
0x11: {  	[smem:$0x3FB3] =	sst s9;
	s0 =	simm.s32 @!p0 $0x0  }
0x12: {  	s1 =	sld [smem:$0x3F99];
	s0 =	simm.s32 @p0 $0x1  }
0x13: {  	[smem:$0x3FB4] =	sst s0;
	s0 =	simm.s32 @!p1 $0x0  }
0x14: {  	s2 =	sld [smem:$0x3F98];
	s0 =	simm.s32 @p1 $0x1  }
0x15: {  	[smem:$0x3FB5] =	sst s0;
	s0 =	simm.s32 @!p2 $0x0  }
0x16: {  	s3 =	sld [smem:$0x3FDB];
	s0 =	simm.s32 @p2 $0x1  }
0x17: {  	s4 =	simm.s32 $0x1BF5;
	[smem:$0x3FB7] =	sst s0  }
0x18: {  	s0 =	sld [smem:$0x3F9A];
	_ =	swait.ge [sflag:s4], $0x0  }
0x19: {  	s7 =	sld [smem:$0x3F9B]  }
0x1a: {  	s8 =	sadd.s32 $0xFFFFE003, lr  }
0x1b: {  	s9 =	sadd.s32 $0xFFFFFEF7, lr;
	s5 =	simm.s32 $0xFFFFFFFF;
	p2 =	slt.u32 s8, $0xFFFFF086  }
0x1c: {  	p1 =	slt.u32 s9, $0xF7A;
	s5 =	simm.s32 @!p2 $0x0  }
0x1d: {  	s5 =	simm.s32 @p1 $0x1;
	p0 =	seq.s32 s7, s2  }
0x1e: {  	s7 =	smul.u32 @!p0 $0xF7A, s2;
	p2 =	seq.s32 @!p0 s5, $0x0  }
0x1f: {  	s9 =	smul.u32 $0xF7A, s1;
	s8 =	simm.s32 @!p0 $0x1BF5;
	p2 =	por !p2, p0  }
0x20: {  	[sflag:s8] =	ssyncset.s32 @!p0 $0xFFFFF086;
	s6 =	sadd.s32 @!p0 s3, s7;
	s7 =	simm.s32 @!p0 $0x108  }
0x21: {  	s3 =	sadd.s32 s3, s9;
	s6 =	sadd.s32 @!p0 $0x88, s6;
	s7 =	simm.s32 @p2 $0x1082  }
0x22: {  	[simem:s7], [sflag:s8] =	dma.local @!p0 [hbm:s6], $0xF7A  }
0x23: {  	s9 =	sor.u32 $0xD0000000, s2;
	s6 =	simm.s32 $0x108;
	_ =	swait.ge @!p0 [sflag:s8], $0x0  }
0x24: {  	s3 =	sadd.s32 $0x88, s3;
	s6 =	simm.s32 @!p1 $0x1082;
	[sflag:s4] =	ssyncset.s32 $0xFFFFF086  }
0x25: {  	[simem:s6], [sflag:s4] =	dma.local [hbm:s3], $0xF7A  }
0x26: {  	[smem:$0x3F9B] =	sst s1;
	(tag) =	ssettag s2;
	_ =	strace s9  }
0x27: {  	s1 =	sld [smem:$0x3FAB]  }
0x28: {  	s2 =	sld [smem:$0x3FAC]  }
0x29: {  	s4 =	sld [smem:$0x3FAE]  }
0x2a: {  	p0 =	seq.s32 s5, $0x0;
	s5 =	sld [smem:$0x3FAF]  }
0x2b: {  	s6 =	sld [smem:$0x3FB0]  }
0x2c: {  	s7 =	sld [smem:$0x3FB1]  }
0x2d: {  	s3 =	simm.s32 $0x108;
	s8 =	sld [smem:$0x3FB2]  }
0x2e: {  	s3 =	simm.s32 @!p0 $0x1082;
	s9 =	sld [smem:$0x3FB3]  }
0x2f: {  	lr =	sadd.s32 s0, s3;
	s0 =	sld [smem:$0x3FAA]  }
0x30: {  	s3 =	sld [smem:$0x3FAD]  }
0x31: {  	[smem:$0x3FB6] =	sst s10  }
0x32: {  	s10 =	sld [smem:$0x3FB4];
	_ =	sdelay $0x3  }
0x33: {  	p0 =	seq.s32 s10, $0x1;
	s10 =	sld [smem:$0x3FB6];
	_ =	sdelay $0x3  }
0x34: {  	[smem:$0x3FB6] =	sst s10  }
0x35: {  	s10 =	sld [smem:$0x3FB5];
	_ =	sdelay $0x3  }
0x36: {  	p1 =	seq.s32 s10, $0x1;
	s10 =	sld [smem:$0x3FB6];
	_ =	sdelay $0x3  }
0x37: {  	[smem:$0x3FB6] =	sst s10  }
0x38: {  	s10 =	sld [smem:$0x3FB7]  }
0x39: {  	_ = 	snop;
	(pc) =	sbr.ind lr, $3  }
0x3a: {  	_ = 	snop  }
0x3b: {  	_ = 	snop  }
0x3c: {  	p2 =	seq.s32 s10, $0x1;
	s10 =	sld [smem:$0x3FB6]  }
0x3d: {  	_ =	shalt  }
0x3e: {  	_ =	shalt  }
0x3f: {  	_ =	shalt  }
0x40: {  	_ =	shalt  }
0x41: {  	_ =	shalt  }
0x42: {  	_ =	shalt  }
0x43: {  	_ =	shalt  }
0x44: {  	_ =	shalt  }
0x45: {  	_ =	shalt  }
0x46: {  	_ =	shalt  }
0x47: {  	_ =	shalt  }
0x48: {  	_ =	shalt  }
0x49: {  	_ =	shalt  }
0x4a: {  	_ =	shalt  }
0x4b: {  	_ =	shalt  }
0x4c: {  	_ =	shalt  }
0x4d: {  	_ =	shalt  }
0x4e: {  	_ =	shalt  }
0x4f: {  	_ =	shalt  }
0x50: {  	_ =	shalt  }
0x51: {  	_ =	shalt  }
0x52: {  	_ =	shalt  }
0x53: {  	_ =	shalt  }
0x54: {  	_ =	shalt  }
0x55: {  	_ =	shalt  }
0x56: {  	_ =	shalt  }
0x57: {  	_ =	shalt  }
0x58: {  	_ =	shalt  }
0x59: {  	_ =	shalt  }
0x5a: {  	_ =	shalt  }
0x5b: {  	_ =	shalt  }
0x5c: {  	_ =	shalt  }
0x5d: {  	_ =	shalt  }
0x5e: {  	_ =	shalt  }
0x5f: {  	_ =	shalt  }
0x60: {  	_ =	shalt  }
0x61: {  	_ =	shalt  }
0x62: {  	_ =	shalt  }
0x63: {  	_ =	shalt  }
0x64: {  	_ =	shalt  }
0x65: {  	_ =	shalt  }
0x66: {  	_ =	shalt  }
0x67: {  	_ =	shalt  }
0x68: {  	_ =	shalt  }
0x69: {  	_ =	shalt  }
0x6a: {  	_ =	shalt  }
0x6b: {  	_ =	shalt  }
0x6c: {  	_ =	shalt  }
0x6d: {  	_ =	shalt  }
0x6e: {  	_ =	shalt  }
0x6f: {  	_ =	shalt  }
0x70: {  	_ =	shalt  }
0x71: {  	_ =	shalt  }
0x72: {  	_ =	shalt  }
0x73: {  	_ =	shalt  }
0x74: {  	_ =	shalt  }
0x75: {  	_ =	shalt  }
0x76: {  	_ =	shalt  }
0x77: {  	_ =	shalt  }
0x78: {  	_ =	shalt  }
0x79: {  	_ =	shalt  }
0x7a: {  	_ =	shalt  }
0x7b: {  	_ =	shalt  }
0x7c: {  	_ =	shalt  }
0x7d: {  	_ =	shalt  }
0x7e: {  	_ =	shalt  }
0x7f: {  	_ =	shalt  }
0x80: {  	_ =	shalt  }
0x81: {  	_ =	shalt  }
0x82: {  	_ =	shalt  }
0x83: {  	_ =	shalt  }
0x84: {  	_ =	shalt  }
0x85: {  	_ =	shalt  }
0x86: {  	_ =	shalt  }
0x87: {  	_ =	shalt  }
.Lfunc_end0:
.L_simem_size_0:
called_computation.1_lowered:
.L_overlay_start_0:
0x88: {  	s2 =	sld [smem:$0x3FD9]  }
0x89: {  	s3 =	sld [smem:$0x3FFE];
	_ =	sdelay $0x1  }
0x8a: {  	s1 =	srdreg.scid  }
0x8b: {  	s0 =	sand.u32 $0x1, s1  }
0x8c: {  	s17 =	sshll.u32 s0, $0xA;
	s2 =	sadd.s32 s3, s2  }
0x8d: {  	s2 =	sadd.s32 s2, s17  }
0x8e: {  	[smem:$0x3FC2] =	sst s2  }
0x8f: {  	_ = 	snop  }
0x90: {  	(tm) =	ssettm $0x1  }
0x91: {  	s18 =	sld [smem:$0x3FFB];
	_ =	sdelay $0x3  }
0x92: {  	_ =	strace s18  }
0x93: {  	s2 =	sld [smem:$0x3FFC];
	_ =	sdelay $0x3  }
0x94: {  	_ =	strace s2  }
0x95: {  	s2 =	sld [smem:$0x3FFD];
	_ =	sdelay $0x3  }
0x96: {  	_ =	strace s2  }
0x97: {  	_ =	strace $0x8FFFFFFF  }
0x98: {  	s19 =	sld [smem:$0x3FDB];
	_ =	sdelay $0x1  }
0x99: {  	s20 =	simm.s32 $_scs_section_size  }
0x9a: {  	s4 =	simm.s32 $_size__tile_overlayer_lowered;
	s5 =	simm.s32 $_tile_overlayer_lowered  }
0x9b: {  	s6 =	simm.s32 $0x1BFF;
	s21 =	sshll.u32 s5, $0x1;
	s3 =	sadd.s32 s20, s19  }
0x9c: {  	s22 =	simm.s32 $0x0;
	s4 =	sshll.u32 s4, $0x1;
	s5 =	sadd.s32 s21, s3  }
0x9d: {  	[timem:s22], [sflag:s6] =	dma.local [hbm:s5], s4  }
0x9e: {  	_ =	swait.ge [sflag:s6], s4  }
0x9f: {  	s4 =	ssub.s32 $0x0, s4;
	[sflag:s6] =	ssyncset.done $0x0  }
0xa0: {  	[sflag:s6] =	ssyncadd.s32 s4;
	_ =	sdelay $0x1  }
0xa1: {  	s23 =	simm.s32 $0x1B8B  }
0xa2: {  	_ =	swait.ge [sflag:s23], $0x1  }
0xa3: {  	[sflag:s23] =	ssyncset.done $0x0  }
0xa4: {  	[sflag:s23] =	ssyncadd.s32 $0xFFFFFFFF  }
0xa5: {  	s4 =	sld [smem:$0x0]  }
0xa6: {  	s5 =	sand.u32 $0xFFFFFFFE, s1  }
0xa7: {  	p0 =	sne.s32 s1, s5  }
0xa8: {  	s5 =	sshll.u32 @p0 s5, $0xE  }
0xa9: {  	s5 =	sadd.s32 @p0 $0x11B8D, s5;
	s6 =	sshll.u32 @p0 s4, $0x11  }
0xaa: {  	s5 =	sor.u32 @p0 s6, s5  }
0xab: {  	[sflag:s5] =	ssyncadd.remote.s32 @p0 $0x1;
	_ =	sdelay $0x1  }
0xac: {  	s5 =	simm.s32 @p0 $0x1B8D  }
0xad: {  	_ =	swait.eq @p0 [sflag:s5], $0x1  }
0xae: {  	[sflag:s5] =	ssyncadd.s32 @p0 $0xFFFFFFFF  }
0xaf: {  	s6 =	sshll.u32 @!p0 s1, $0xE  }
0xb0: {  	s6 =	sor.u32 @!p0 $0x4000, s6;
	s5 =	simm.s32 @!p0 $0x1B8D  }
0xb1: {  	s4 =	sshll.u32 @!p0 s4, $0x11;
	s6 =	sadd.s32 @!p0 $0x11B8D, s6;
	_ =	swait.eq @!p0 [sflag:s5], $0x1  }
0xb2: {  	s4 =	sor.u32 @!p0 s4, s6;
	[sflag:s5] =	ssyncadd.s32 @!p0 $0xFFFFFFFF  }
0xb3: {  	s25 =	simm.s32 $0x1B8E;
	s24 =	sld [smem:$0x3FFE];
	[sflag:s4] =	ssyncadd.remote.s32 @!p0 $0x1  }
0xb4: {  	s26 =	simm.s32 $execute0_lowered;
	[smem:$0x3FD2] =	sst s25  }
0xb5: {  	s5 =	sshll.u32 s26, $0x1;
	_ =	strace $0x80000049;
	[dreg:$0x1] =	wrdreg $0xFFFFFFFF  }
0xb6: {  	s28 =	simm.s32 $_size_execute0_lowered;
	s3 =	sadd.s32 s3, s5;
	[dreg:$0x0] =	wrdreg $0x0  }
0xb7: {  	s5 =	sshll.u32 s28, $0x1;
	[dreg:$0x2] =	wrdreg s3  }
0xb8: {  	[dreg:$0x3] =	wrdreg s5  }
0xb9: {  	[dreg:$0x4] =	wrdreg $0xC0  }
0xba: {  	_ =	task [dreg:s22], $0x5FFFF  }
0xbb: {  	[dreg:$0x1] =	wrdreg $0xFFFFFFFF  }
0xbc: {  	[dreg:$0x0] =	wrdreg $0x60  }
0xbd: {  	[dreg:$0x2] =	wrdreg s24  }
0xbe: {  	[dreg:$0x3] =	wrdreg $0xA  }
0xbf: {  	_ =	task.clear_ibuf [dreg:s22], $0x4FFFF;
	_ =	strace $0x90000049  }
0xc0: {  	s29 =	simm.s32 $0xA;
	_ =	strace $0x8000004B  }
0xc1: {  	_ =	swait.ge [sflag:s29], $0x1  }
0xc2: {  	[sflag:s29] =	ssyncadd.s32 $0xFFFFFFFF  }
0xc3: {  	_ =	strace $0x9000004B  }
0xc4: {  	_ =	sfence  }
0xc5: {  	s30 =	sld [smem:$0x0];
	_ =	sdelay $0x2  }
0xc6: {  	s31 =	sshll.u32 s1, $0xD;
	s1 =	sshrl.u32 s1, $0x2  }
0xc7: {  	s4 =	sand.u32 $0x4000, s31;
	s1 =	sadd.s32 s1, s30  }
0xc8: {  	s0 =	sor.u32 s4, s0;
	s1 =	sshll.u32 s1, $0x11  }
0xc9: {  	s0 =	sor.u32 s1, s0  }
0xca: {  	s0 =	sadd.s32 $0x8F2B, s0  }
0xcb: {  	[sflag:s0] =	ssyncadd.remote.s32 $0x1  }
0xcc: {  	_ =	sfence.sel $0xFFFF  }
0xcd: {  	[dreg:$0x0] =	wrdreg $0xFFFFFFFF;
	(pc) =	sbr.abs _section_cstart, $3  }
0xce: {  	[dreg:$0x1] =	wrdreg $0xFFFFFFFF  }
0xcf: {  	_ =	task.clear_ibuf [dreg:s22], $0x2FFFF;
	_ =	strace $0x9FFFFFFF  }
0xd0: {  	(tm) =	ssettm $0x7FFFFFFF  }
0xd1: {  	_ =	shalt  }
tec
execute0_lowered:
.L_overlay_start_1:
0x0: {  	(tag) =	ssettag $0x1  }
0x1: {  	s0 =	srdreg.scid;
	s1 =	stileid.u32  }
0x2: {  	s5 =	rddreg [dreg:$0x0];
	s2 =	simm.s32 $0x0;
	s8 =	simm.s32 $0x2  }
0x3: {  	s9 =	simm.s32 $0x50;
	s10 =	simm.s32 $0xC80;
	s11 =	simm.s32 $0x2080  }
0x4: {  	s12 =	simm.s32 $0x3480;
	s13 =	simm.s32 $0x4880;
	s14 =	simm.s32 $0x5C80  }
0x5: {  	s15 =	simm.s32 $0x7080;
	s16 =	simm.s32 $0x8480;
	s17 =	simm.s32 $0x9880  }
0x6: {  	s18 =	simm.s32 $0xAC80;
	s19 =	simm.s32 $0xC080;
	s20 =	simm.s32 $0xD480  }
0x7: {  	s21 =	simm.s32 $0xE880;
	s22 =	simm.s32 $0xFC80;
	s23 =	simm.s32 $0x11080  }
0x8: {  	s24 =	simm.s32 $0x12480;
	s0 =	sand.u32 $0x1, s0;
	s1 =	sshll.u32 s1, $0x1  }
0x9: {  	s28 =	simm.s32 $0x16080;
	s29 =	simm.s32 $0x17480;
	s1 =	sor.u32 s0, s1  }
0xa: {  	s30 =	simm.s32 $0x18880;
	s31 =	simm.s32 $0x1;
	s3 =	smul.u32 $0xC80, s1  }
0xb: {  	[smem:$0x7FF] =	sst s2;
	s4 =	sadd.s32 $0x187C00, s5;
	s0 =	ssub.s32 $0x2, s0  }
0xc: {  	_ =	strace $0x8000004A;
	s25 =	sshrl.u32 s0, $0x1;
	s6 =	sshrl.u32 s3, $0x3  }
0xd: {  	s0 =	ssub.s32 s0, s25;
	s25 =	simm.s32 $0x13880;
	s26 =	sadd.s32 s5, s6  }
0xe: {  	s7 =	smax.u32 s0, $0x1;
	s5 =	sadd.s32 $0x24B200, s5;
	s1 =	sadd.s32 $0x4400, s26  }
0xf: {  	s26 =	simm.s32 $0x14C80;
	[dreg:$0x2] =	wrdreg s1;
	s1 =	simm.s32 $0x0  }
.LBB2_1:
0x10: {  	s0 =	rddreg [dreg:$0x2]  }
0x11: {  	[tilespmem:s2], [sflag:$0x2] =	stream.linear.gather [hbm4b:s0+s2], $0xC80, $0x38;
	[tilespmem:$0x19C80] =	vst v63  }
0x12: {  	_ =	swait.ge [sflag:s8], $0xC80  }
0x13: {  	[sflag:s8] =	ssyncset.done $0x0  }
0x14: {  	p0 =	por $0x1, $0x1;
	s0 =	simm.s32 $0x0;
	[sflag:s8] =	ssyncadd.s32 $0xFFFFF380  }
.LBB2_2:
0x15: {  	[tilespmem:s10], [sflag:$0x1] =	stream.indirect.gather [hbm4b:s4+s9], $0x40, s0, s9, $0xb8;
	[tilespmem:$0x19C80] =	vst v63  }
0x16: {  	s6 =	sadd.s32 $0x50, s0  }
0x17: {  	[tilespmem:s11], [sflag:$0x1] =	stream.indirect.gather [hbm4b:s4+s9], $0x40, s6, s9, $0xb8;
	[tilespmem:$0x19C80] =	vst v63  }
0x18: {  	s6 =	sadd.s32 $0xA0, s0  }
0x19: {  	[tilespmem:s12], [sflag:$0x1] =	stream.indirect.gather [hbm4b:s4+s9], $0x40, s6, s9, $0xb8;
	[tilespmem:$0x19C80] =	vst v63  }
0x1a: {  	s6 =	sadd.s32 $0xF0, s0  }
0x1b: {  	[tilespmem:s13], [sflag:$0x1] =	stream.indirect.gather [hbm4b:s4+s9], $0x40, s6, s9, $0xb8;
	[tilespmem:$0x19C80] =	vst v63  }
0x1c: {  	s6 =	sadd.s32 $0x140, s0  }
0x1d: {  	[tilespmem:s14], [sflag:$0x1] =	stream.indirect.gather [hbm4b:s4+s9], $0x40, s6, s9, $0xb8;
	[tilespmem:$0x19C80] =	vst v63  }
0x1e: {  	s6 =	sadd.s32 $0x190, s0  }
0x1f: {  	[tilespmem:s15], [sflag:$0x1] =	stream.indirect.gather [hbm4b:s4+s9], $0x40, s6, s9, $0xb8;
	[tilespmem:$0x19C80] =	vst v63  }
0x20: {  	s6 =	sadd.s32 $0x1E0, s0  }
0x21: {  	[tilespmem:s16], [sflag:$0x1] =	stream.indirect.gather [hbm4b:s4+s9], $0x40, s6, s9, $0xb8;
	[tilespmem:$0x19C80] =	vst v63  }
0x22: {  	s6 =	sadd.s32 $0x230, s0  }
0x23: {  	[tilespmem:s17], [sflag:$0x1] =	stream.indirect.gather [hbm4b:s4+s9], $0x40, s6, s9, $0xb8;
	[tilespmem:$0x19C80] =	vst v63  }
0x24: {  	s6 =	sadd.s32 $0x280, s0  }
0x25: {  	[tilespmem:s18], [sflag:$0x1] =	stream.indirect.gather [hbm4b:s4+s9], $0x40, s6, s9, $0xb8;
	[tilespmem:$0x19C80] =	vst v63  }
0x26: {  	s6 =	sadd.s32 $0x2D0, s0  }
0x27: {  	[tilespmem:s19], [sflag:$0x1] =	stream.indirect.gather [hbm4b:s4+s9], $0x40, s6, s9, $0xb8;
	[tilespmem:$0x19C80] =	vst v63  }
0x28: {  	s6 =	sadd.s32 $0x320, s0  }
0x29: {  	[tilespmem:s20], [sflag:$0x1] =	stream.indirect.gather [hbm4b:s4+s9], $0x40, s6, s9, $0xb8;
	[tilespmem:$0x19C80] =	vst v63  }
0x2a: {  	s6 =	sadd.s32 $0x370, s0  }
0x2b: {  	[tilespmem:s21], [sflag:$0x1] =	stream.indirect.gather [hbm4b:s4+s9], $0x40, s6, s9, $0xb8;
	[tilespmem:$0x19C80] =	vst v63  }
0x2c: {  	s6 =	sadd.s32 $0x3C0, s0  }
0x2d: {  	[tilespmem:s22], [sflag:$0x1] =	stream.indirect.gather [hbm4b:s4+s9], $0x40, s6, s9, $0xb8;
	[tilespmem:$0x19C80] =	vst v63  }
0x2e: {  	s6 =	sadd.s32 $0x410, s0  }
0x2f: {  	[tilespmem:s23], [sflag:$0x1] =	stream.indirect.gather [hbm4b:s4+s9], $0x40, s6, s9, $0xb8;
	[tilespmem:$0x19C80] =	vst v63  }
0x30: {  	s6 =	sadd.s32 $0x460, s0  }
0x31: {  	[tilespmem:s24], [sflag:$0x1] =	stream.indirect.gather [hbm4b:s4+s9], $0x40, s6, s9, $0xb8;
	[tilespmem:$0x19C80] =	vst v63  }
0x32: {  	s6 =	sadd.s32 $0x4B0, s0  }
0x33: {  	[tilespmem:s25], [sflag:$0x1] =	stream.indirect.gather [hbm4b:s4+s9], $0x40, s6, s9, $0xb8;
	[tilespmem:$0x19C80] =	vst v63  }
0x34: {  	s6 =	sadd.s32 $0x500, s0  }
0x35: {  	[tilespmem:s26], [sflag:$0x1] =	stream.indirect.gather [hbm4b:s4+s9], $0x40, s6, s9, $0xb8;
	[tilespmem:$0x19C80] =	vst v63  }
0x36: {  	s6 =	sadd.s32 $0x550, s0  }
0x37: {  	[tilespmem:s28], [sflag:$0x1] =	stream.indirect.gather [hbm4b:s4+s9], $0x40, s6, s9, $0xb8;
	[tilespmem:$0x19C80] =	vst v63  }
0x38: {  	s6 =	sadd.s32 $0x5A0, s0  }
0x39: {  	[tilespmem:s29], [sflag:$0x1] =	stream.indirect.gather [hbm4b:s4+s9], $0x40, s6, s9, $0xb8;
	[tilespmem:$0x19C80] =	vst v63  }
0x3a: {  	s6 =	sadd.s32 $0x5F0, s0  }
0x3b: {  	[tilespmem:s30], [sflag:$0x1] =	stream.indirect.gather [hbm4b:s4+s9], $0x40, s6, s9, $0xb8;
	[tilespmem:$0x19C80] =	vst v63  }
0x3c: {  	_ =	swait.ge [sflag:s31], $0x1400  }
0x3d: {  	[sflag:s31] =	ssyncset.done $0x0  }
0x3e: {  	[sflag:s31] =	ssyncadd.s32 $0xFFFFEC00  }
0x3f: {  	_ =	swait.ge [sflag:s31], $0x1400  }
0x40: {  	[sflag:s31] =	ssyncset.done $0x0  }
0x41: {  	[sflag:s31] =	ssyncadd.s32 $0xFFFFEC00  }
0x42: {  	_ =	swait.ge [sflag:s31], $0x1400  }
0x43: {  	[sflag:s31] =	ssyncset.done $0x0  }
0x44: {  	[sflag:s31] =	ssyncadd.s32 $0xFFFFEC00  }
0x45: {  	_ =	swait.ge [sflag:s31], $0x1400  }
0x46: {  	[sflag:s31] =	ssyncset.done $0x0  }
0x47: {  	[sflag:s31] =	ssyncadd.s32 $0xFFFFEC00  }
0x48: {  	_ =	swait.ge [sflag:s31], $0x1400  }
0x49: {  	[sflag:s31] =	ssyncset.done $0x0  }
0x4a: {  	[sflag:s31] =	ssyncadd.s32 $0xFFFFEC00  }
0x4b: {  	_ =	swait.ge [sflag:s31], $0x1400  }
0x4c: {  	[sflag:s31] =	ssyncset.done $0x0  }
0x4d: {  	[sflag:s31] =	ssyncadd.s32 $0xFFFFEC00  }
0x4e: {  	_ =	swait.ge [sflag:s31], $0x1400  }
0x4f: {  	[sflag:s31] =	ssyncset.done $0x0  }
0x50: {  	[sflag:s31] =	ssyncadd.s32 $0xFFFFEC00  }
0x51: {  	_ =	swait.ge [sflag:s31], $0x1400  }
0x52: {  	[sflag:s31] =	ssyncset.done $0x0  }
0x53: {  	[sflag:s31] =	ssyncadd.s32 $0xFFFFEC00  }
0x54: {  	_ =	swait.ge [sflag:s31], $0x1400  }
0x55: {  	[sflag:s31] =	ssyncset.done $0x0  }
0x56: {  	[sflag:s31] =	ssyncadd.s32 $0xFFFFEC00  }
0x57: {  	_ =	swait.ge [sflag:s31], $0x1400  }
0x58: {  	[sflag:s31] =	ssyncset.done $0x0  }
0x59: {  	[sflag:s31] =	ssyncadd.s32 $0xFFFFEC00  }
0x5a: {  	_ =	swait.ge [sflag:s31], $0x1400  }
0x5b: {  	[sflag:s31] =	ssyncset.done $0x0  }
0x5c: {  	[sflag:s31] =	ssyncadd.s32 $0xFFFFEC00  }
0x5d: {  	_ =	swait.ge [sflag:s31], $0x1400  }
0x5e: {  	[sflag:s31] =	ssyncset.done $0x0  }
0x5f: {  	[sflag:s31] =	ssyncadd.s32 $0xFFFFEC00  }
0x60: {  	_ =	swait.ge [sflag:s31], $0x1400  }
0x61: {  	[sflag:s31] =	ssyncset.done $0x0  }
0x62: {  	[sflag:s31] =	ssyncadd.s32 $0xFFFFEC00  }
0x63: {  	_ =	swait.ge [sflag:s31], $0x1400  }
0x64: {  	[sflag:s31] =	ssyncset.done $0x0  }
0x65: {  	[sflag:s31] =	ssyncadd.s32 $0xFFFFEC00  }
0x66: {  	_ =	swait.ge [sflag:s31], $0x1400  }
0x67: {  	[sflag:s31] =	ssyncset.done $0x0  }
0x68: {  	[sflag:s31] =	ssyncadd.s32 $0xFFFFEC00  }
0x69: {  	_ =	swait.ge [sflag:s31], $0x1400  }
0x6a: {  	[sflag:s31] =	ssyncset.done $0x0  }
0x6b: {  	[sflag:s31] =	ssyncadd.s32 $0xFFFFEC00  }
0x6c: {  	_ =	swait.ge [sflag:s31], $0x1400  }
0x6d: {  	[sflag:s31] =	ssyncset.done $0x0  }
0x6e: {  	[sflag:s31] =	ssyncadd.s32 $0xFFFFEC00  }
0x6f: {  	_ =	swait.ge [sflag:s31], $0x1400  }
0x70: {  	[sflag:s31] =	ssyncset.done $0x0  }
0x71: {  	[sflag:s31] =	ssyncadd.s32 $0xFFFFEC00  }
0x72: {  	_ =	swait.ge [sflag:s31], $0x1400  }
0x73: {  	[sflag:s31] =	ssyncset.done $0x0  }
0x74: {  	[sflag:s31] =	ssyncadd.s32 $0xFFFFEC00  }
0x75: {  	s6 =	sadd.s32 s3, s0;
	_ =	swait.ge [sflag:s31], $0x1400  }
0x76: {  	p1 =	por p0, p0;
	s0 =	sshll.u32 s6, $0x3;
	[sflag:s31] =	ssyncset.done $0x0  }
.Ltmp0:
0x77: {  	s0 =	sadd.s32 s5, s0;
	[sflag:s31] =	ssyncadd.s32 $0xFFFFEC00;
	(pc) =	sbr.rel @p1 .LBB2_2-.Ltmp0, $4  }
0x78: {  	[hbm4b:s0+s2] =	stream.linear.scatter [tilespmem:s10], [sflag:$0x2], $0x19000, $0x38;
	[tilespmem:$0x19C80] =	vst v63  }
0x79: {  	_ =	swait.ge [sflag:s8], $0x19000  }
0x7a: {  	[sflag:s8] =	ssyncset.done $0x0  }
0x7b: {  	p0 =	por $0x0, $0x0;
	s0 =	simm.s32 $0x640;
	[sflag:s8] =	ssyncadd.s32 $0xFFFE7000  }
0x7c: {  	s1 =	sadd.s32 $0x1, s1  }
0x7d: {  	p0 =	sne.s32 s1, s7  }
.Ltmp1:
0x7e: {  	_ = 	snop;
	(pc) =	sbr.rel @p0 .LBB2_1-.Ltmp1, $1  }
0x7f: {  	_ =	sdelay $0x3  }
0x80: {  	_ =	sfence.sel $0x180000  }
0x81: {  	[bflag:$0x0] =	sbarrier.arrive $0xFFFF  }
0x82: {  	_ =	strace $0x9000004A  }
0x83: {  	s0 =	stileid.u32;
	[bflag:$0x2] =	sbarrier.arrive $0xFFFF  }
0x84: {  	p0 =	sne.s32 s0, $0x0;
	s0 =	rddreg [dreg:$0x1]  }
0x85: {  	s0 =	sadd.s32 @!p0 $0x100000, s0  }
0x86: {  	[sflag:s0] =	ssyncadd.tile.s32 @!p0 $0x1;
	_ =	shalt  }
.Lfunc_end2:
_tile_overlayer_lowered:
.L_overlay_start_2:
0x87: {  	(tag) =	ssettag $0x2  }
0x88: {  	s0 =	rddreg [dreg:$0x0];
	s2 =	stileid.u32  }
0x89: {  	s1 =	rddreg [dreg:$0x1];
	p0 =	sne.s32 s2, $0x0  }
0x8a: {  	s3 =	rddreg [dreg:$0x2];
	[bflag:$0x3] =	sbarrier.arrive $0xFFFF;
	s2 =	simm.s32 @!p0 $0x1C02  }
0x8b: {  	[timem:s3], [sflag:s2] =	dma.local @!p0 [hbm:s0], s1  }
0x8c: {  	s0 =	simm.s32 @!p0 $0x2  }
0x8d: {  	_ =	swait.ge @!p0 [sflag:s0], s1  }
0x8e: {  	s1 =	ssub.s32 @!p0 $0x0, s1;
	[sflag:s0] =	ssyncset.done @!p0 $0x0  }
0x8f: {  	[sflag:s0] =	ssyncadd.s32 @!p0 s1  }
0x90: {  	[bflag:$0x3] =	sbarrier.arrive $0xFFFF  }
0x91: {  	_ =	shalt  }

</sc_bundles>
